<compile_context>
chip_gen: v7x
topology: tpu7x:2x2x1
jax: 0.10.2.dev20260603
libtpu: 0.0.44.dev20260713+nightly
codegen_flags: <defaults>
</compile_context>

<pallas_src>
import functools

import jax
import jax.numpy as jnp
from jax import lax
from jax.experimental import pallas as pl
from jax.experimental.pallas import tpu as pltpu
from jax.experimental.pallas import tpu_sc as plsc

D = 32
LANES = 16
NW = 32


def _scale_table(table_t):
    v = table_t.shape[1]
    block = 12800

    def sk(x_ref, o_ref):
        x = x_ref[...]
        ssq = jnp.sum(x * x, axis=0, keepdims=True)
        o_ref[...] = x * lax.rsqrt(jnp.maximum(ssq, 1e-24))

    return pl.pallas_call(
        sk,
        grid=(pl.cdiv(v, block),),
        in_specs=[pl.BlockSpec((D, block), lambda i: (0, i))],
        out_specs=pl.BlockSpec((D, block), lambda i: (0, i)),
        out_shape=jax.ShapeDtypeStruct((D, v), jnp.float32),
    )(table_t)


NT = 50
CHUNK = NT * 128
TUNROLL = 10


@functools.cache
def _gather_soa(e, v):
    etiles = e // 128
    per_half = etiles // NT
    n_chunks = 2 * per_half
    assert e % 128 == 0 and etiles % NT == 0
    mesh = plsc.VectorSubcoreMesh(core_axis_name="c", subcore_axis_name="s")

    @functools.partial(
        pl.kernel,
        out_type=jax.ShapeDtypeStruct((2, D // 8, etiles, 8, 128), jnp.float32),
        mesh=mesh,
        scratch_types=[
            pltpu.VMEM((v,), jnp.float32),
            pltpu.VMEM((CHUNK,), jnp.int32),
            pltpu.VMEM((CHUNK,), jnp.int32),
            pltpu.VMEM((NT, 128), jnp.float32),
            pltpu.VMEM((NT, 128), jnp.float32),
            pltpu.SemaphoreType.DMA,
            pltpu.SemaphoreType.DMA,
            pltpu.SemaphoreType.DMA,
            pltpu.SemaphoreType.DMA,
        ],
        compiler_params=pltpu.CompilerParams(
            use_tc_tiling_on_sc=False, needs_layout_passes=False
        ),
    )
    def k(idx_hbm, st_hbm, out_hbm, trow, i0, i1, o0, o1, si0, si1, sw0, sw1):
        idx_v = (i0, i1)
        out_v = (o0, o1)
        sem_i = (si0, si1)
        sem_w = (sw0, sw1)
        d = lax.axis_index("c") * (NW // 2) + lax.axis_index("s")
        dhi = d // 8
        dlo = d % 8

        def idx_copy(i, b):
            return pltpu.make_async_copy(
                idx_hbm.at[pl.ds(i * CHUNK, CHUNK)], idx_v[b], sem_i[b])

        def wb_copy(i, b):
            s = i // per_half
            t0 = (i % per_half) * NT
            return pltpu.make_async_copy(
                out_v[b],
                out_hbm.at[s, dhi, pl.ds(t0, NT), dlo, :],
                sem_w[b])

        def compute(b):
            @plsc.parallel_loop(0, NT, unroll=TUNROLL)
            def _(t):
                for u in range(128 // LANES):
                    j = u * LANES
                    idx16 = idx_v[b][pl.ds(t * 128 + j, LANES)]
                    out_v[b][t, pl.ds(j, LANES)] = plsc.load_gather(
                        trow, [idx16])

        idx_copy(0, 0).start()
        idx_copy(1, 1).start()
        pltpu.sync_copy(st_hbm.at[d], trow)

        def superstep(ss, carry):
            for b in (0, 1):
                i = 2 * ss + b
                idx_copy(i, b).wait()

                @pl.when(i >= 2)
                def _():
                    wb_copy(i - 2, b).wait()

                compute(b)
                wb_copy(i, b).start()

                @pl.when(i + 2 < n_chunks)
                def _():
                    idx_copy(i + 2, b).start()

            return carry

        lax.fori_loop(0, n_chunks // 2, superstep, 0)
        wb_copy(n_chunks - 2, 0).wait()
        wb_copy(n_chunks - 1, 1).wait()

    return k


def _rel_proj_t(attr_t, r_weight):
    e = attr_t.shape[1]
    block = 12800

    def mm(w_ref, x_ref, o_ref):
        o_ref[...] = lax.dot_general(
            w_ref[...], x_ref[...],
            (((1,), (0,)), ((), ())),
            preferred_element_type=jnp.float32,
        )

    return pl.pallas_call(
        mm,
        grid=(e // block,),
        in_specs=[
            pl.BlockSpec((D, 16), lambda i: (0, 0)),
            pl.BlockSpec((16, block), lambda i: (0, i)),
        ],
        out_specs=pl.BlockSpec((D, block), lambda i: (0, i)),
        out_shape=jax.ShapeDtypeStruct((D, e), jnp.float32),
    )(r_weight, attr_t)


def kernel(edge_index, edge_attr, entity_table, r_weight):
    e = edge_index.shape[1]
    v = entity_table.shape[0]
    idx_flat = edge_index.reshape(2 * e)
    st = _scale_table(entity_table.T)
    out5 = _gather_soa(e, v)(idx_flat, st)
    edge_emb = jnp.transpose(out5, (0, 2, 4, 1, 3)).reshape(2, e, D)
    rel_emb = _rel_proj_t(edge_attr.T, r_weight).T
    return (edge_emb, rel_emb)

# --- scband reference (transcript-rebuilt; emitter-appended) ---
"""Pipeline reference for scband-graph-embedder-dummy-13786845020221 (READ-ONLY COPY).

The authoritative reference and input builder live on the scoring server;
editing this copy changes nothing except your own understanding.
"""

import jax, jax.numpy as jnp
import numpy as np

NUM_ENTITIES = 100000
NUM_RELATIONS = 16
EMBED_DIM = 32
MARGIN = 1.0
E = 1600000


def setup_inputs(seed: int = 0) -> dict:
    key = jax.random.key(seed)
    k1, k2, k3, k4 = jax.random.split(key, 4)
    bound = (MARGIN + 2.0) / EMBED_DIM
    entity_table = jax.random.uniform(k1, (NUM_ENTITIES, EMBED_DIM), minval=-bound, maxval=bound, dtype=jnp.float32)
    # torch nn.Linear(num_relations, embedding_dim, bias=False) weight has shape [embedding_dim, num_relations]
    r_weight = jax.random.uniform(k2, (EMBED_DIM, NUM_RELATIONS), minval=-bound, maxval=bound, dtype=jnp.float32)
    edge_index = jax.random.randint(k3, (2, E), 0, NUM_ENTITIES, dtype=jnp.int32)
    edge_attr = jax.random.uniform(k4, (E, NUM_RELATIONS), dtype=jnp.float32)
    return {"edge_index": edge_index, "edge_attr": edge_attr, "entity_table": entity_table, "r_weight": r_weight}


def reference(edge_index, edge_attr, entity_table, r_weight):
    # entity embedding lookups (gathers)
    e_s = jnp.take(entity_table, edge_index[0], axis=0)
    e_t = jnp.take(entity_table, edge_index[1], axis=0)
    edge_emb = jnp.stack((e_s, e_t), axis=0)  # [2, E, D]
    # relation projection: Linear(num_relations -> embedding_dim), y = x @ W^T
    rel_emb = edge_attr @ r_weight.T  # [E, D]
    # F.normalize(dim=-1) with torch default eps=1e-12
    norm = jnp.maximum(jnp.linalg.norm(edge_emb, axis=-1, keepdims=True), 1e-12)
    edge_emb = edge_emb / norm
    return (edge_emb, rel_emb)

if __name__ == "__main__":
    import jax
    _d = setup_inputs()
    print(jax.jit(kernel)(*tuple(_d.values())))

</pallas_src>

<mosaic_0001>
#map = affine_map<(d0, d1) -> (0)>
#map1 = affine_map<(d0, d1) -> (0, 0)>
#map2 = affine_map<(d0, d1) -> (0, 0, 0, 0, 0)>
module attributes {stable_mosaic.version = 14 : i64} {
  func.func @k(%arg0: i32, %arg1: i32, %arg2: memref<3200000xi32, #tpu.memory_space<hbm>>, %arg3: memref<32x100000xf32, #tpu.memory_space<hbm>>, %arg4: memref<2x4x12500x8x128xf32, #tpu.memory_space<hbm>>, %arg5: memref<100000xf32, #tpu.memory_space<vmem>>, %arg6: memref<6400xi32, #tpu.memory_space<vmem>>, %arg7: memref<6400xi32, #tpu.memory_space<vmem>>, %arg8: memref<50x128xf32, #tpu.memory_space<vmem>>, %arg9: memref<50x128xf32, #tpu.memory_space<vmem>>, %arg10: memref<!tpu.dma_semaphore, #tpu.memory_space<semaphore_mem>>, %arg11: memref<!tpu.dma_semaphore, #tpu.memory_space<semaphore_mem>>, %arg12: memref<!tpu.dma_semaphore, #tpu.memory_space<semaphore_mem>>, %arg13: memref<!tpu.dma_semaphore, #tpu.memory_space<semaphore_mem>>) attributes {dimension_semantics = [#tpu.dimension_semantics<core_parallel>, #tpu.dimension_semantics<subcore_parallel>], iteration_bounds = array<i64: 2, 16>, scalar_prefetch = 0 : i64, scratch_operands = 9 : i64, tpu.core_type = #tpu.core_type<sc_vector_subcore>, window_params = [{transform_indices = #map}, {transform_indices = #map1}, {transform_indices = #map2}]} {
    %mul3A = arith.constant 16 : i32
    %mul3A_0 = arith.muli %arg0, %mul3A : i32
    %add3A = arith.addi %mul3A_0, %arg1 : i32
    %jit3A = arith.constant 8 : i32
    %div3A = arith.divsi %add3A, %jit3A : i32
    %sign3A = arith.constant 0 : i32
    %sign3A_1 = arith.cmpi sgt, %add3A, %sign3A : i32
    %sign3A_2 = arith.extui %sign3A_1 : i1 to i32
    %sign3A_3 = arith.constant 0 : i32
    %sign3A_4 = arith.cmpi slt, %add3A, %sign3A_3 : i32
    %sign3A_5 = arith.extui %sign3A_4 : i1 to i32
    %sign3A_6 = arith.subi %sign3A_2, %sign3A_5 : i32
    %sign3A_7 = arith.constant 0 : i32
    %sign3A_8 = arith.cmpi sgt, %jit3A, %sign3A_7 : i32
    %sign3A_9 = arith.extui %sign3A_8 : i1 to i32
    %sign3A_10 = arith.constant 0 : i32
    %sign3A_11 = arith.cmpi slt, %jit3A, %sign3A_10 : i32
    %sign3A_12 = arith.extui %sign3A_11 : i1 to i32
    %sign3A_13 = arith.subi %sign3A_9, %sign3A_12 : i32
    %ne3A = arith.cmpi ne, %sign3A_6, %sign3A_13 : i32
    %rem3A = arith.remsi %add3A, %jit3A : i32
    %ne3A_14 = arith.constant 0 : i32
    %ne3A_15 = arith.cmpi ne, %rem3A, %ne3A_14 : i32
    %and3A = arith.andi %ne3A, %ne3A_15 : i1
    %sub3A = arith.constant 1 : i32
    %sub3A_16 = arith.subi %div3A, %sub3A : i32
    %select_n3A = arith.select %and3A, %sub3A_16, %div3A : i32
    %jit3A_17 = arith.constant 8 : i32
    %eq3A = arith.constant 0 : i32
    %eq3A_18 = arith.cmpi eq, %jit3A_17, %eq3A : i32
    %jit3A_19 = arith.constant 1 : i32
    %select_n3A_20 = arith.select %eq3A_18, %jit3A_19, %jit3A_17 : i32
    %rem3A_21 = arith.remsi %add3A, %select_n3A_20 : i32
    %ne3A_22 = arith.constant 0 : i32
    %ne3A_23 = arith.cmpi ne, %rem3A_21, %ne3A_22 : i32
    %lt3A = arith.constant 0 : i32
    %lt3A_24 = arith.cmpi slt, %rem3A_21, %lt3A : i32
    %lt3A_25 = arith.constant 0 : i32
    %lt3A_26 = arith.cmpi slt, %select_n3A_20, %lt3A_25 : i32
    %ne3A_27 = arith.xori %lt3A_24, %lt3A_26 : i1
    %and3A_28 = arith.andi %ne3A_27, %ne3A_23 : i1
    %add3A_29 = arith.addi %rem3A_21, %select_n3A_20 : i32
    %select_n3A_30 = arith.select %and3A_28, %add3A_29, %rem3A_21 : i32
    %dma_start3A = arith.constant 0 : i32
    %dma_start3A_31 = tpu.memref_slice %arg2[%dma_start3A] : memref<3200000xi32, #tpu.memory_space<hbm>> -> memref<6400xi32, #tpu.memory_space<hbm>>
    %dma_start3A_32 = arith.constant 0 : i32
    %dma_start3A_33 = tpu.memref_slice %arg2[%dma_start3A_32] : memref<3200000xi32, #tpu.memory_space<hbm>> -> memref<6400xi32, #tpu.memory_space<hbm>>
    tpu.enqueue_dma source(%dma_start3A_33 : memref<6400xi32, #tpu.memory_space<hbm>>) target(%arg6 : memref<6400xi32, #tpu.memory_space<vmem>>) target_semaphore(%arg10 : memref<!tpu.dma_semaphore, #tpu.memory_space<semaphore_mem>>)
    %dma_start3A_34 = arith.constant 6400 : i32
    %dma_start3A_35 = tpu.memref_slice %arg2[%dma_start3A_34] : memref<3200000xi32, #tpu.memory_space<hbm>> -> memref<6400xi32, #tpu.memory_space<hbm>>
    %dma_start3A_36 = arith.constant 6400 : i32
    %dma_start3A_37 = tpu.memref_slice %arg2[%dma_start3A_36] : memref<3200000xi32, #tpu.memory_space<hbm>> -> memref<6400xi32, #tpu.memory_space<hbm>>
    tpu.enqueue_dma source(%dma_start3A_37 : memref<6400xi32, #tpu.memory_space<hbm>>) target(%arg7 : memref<6400xi32, #tpu.memory_space<vmem>>) target_semaphore(%arg11 : memref<!tpu.dma_semaphore, #tpu.memory_space<semaphore_mem>>)
    "tpu.region"() ({
      %run_scoped3A = tpu.sem_alloc : memref<!tpu.dma_semaphore, #tpu.memory_space<semaphore_mem>>
      %dma_start3A_60 = arith.constant 0 : i32
      %dma_start3A_61 = tpu.memref_slice %arg3[%add3A, %dma_start3A_60] : memref<32x100000xf32, #tpu.memory_space<hbm>> -> memref<1x100000xf32, #tpu.memory_space<hbm>>
      %dma_start3A_62 = tpu.memref_squeeze %dma_start3A_61 : memref<1x100000xf32, #tpu.memory_space<hbm>> -> memref<100000xf32, #tpu.memory_space<hbm>>
      %dma_start3A_63 = arith.constant 0 : i32
      %dma_start3A_64 = tpu.memref_slice %arg3[%add3A, %dma_start3A_63] : memref<32x100000xf32, #tpu.memory_space<hbm>> -> memref<1x100000xf32, #tpu.memory_space<hbm>>
      %dma_start3A_65 = tpu.memref_squeeze %dma_start3A_64 : memref<1x100000xf32, #tpu.memory_space<hbm>> -> memref<100000xf32, #tpu.memory_space<hbm>>
      tpu.enqueue_dma source(%dma_start3A_65 : memref<100000xf32, #tpu.memory_space<hbm>>) target(%arg5 : memref<100000xf32, #tpu.memory_space<vmem>>) target_semaphore(%run_scoped3A : memref<!tpu.dma_semaphore, #tpu.memory_space<semaphore_mem>>)
      %dma_wait3A_66 = arith.constant 0 : i32
      %dma_wait3A_67 = tpu.memref_slice %arg3[%add3A, %dma_wait3A_66] : memref<32x100000xf32, #tpu.memory_space<hbm>> -> memref<1x100000xf32, #tpu.memory_space<hbm>>
      %dma_wait3A_68 = tpu.memref_squeeze %dma_wait3A_67 : memref<1x100000xf32, #tpu.memory_space<hbm>> -> memref<100000xf32, #tpu.memory_space<hbm>>
      %dma_wait3A_69 = arith.constant 0 : i32
      %dma_wait3A_70 = tpu.memref_slice %arg3[%add3A, %dma_wait3A_69] : memref<32x100000xf32, #tpu.memory_space<hbm>> -> memref<1x100000xf32, #tpu.memory_space<hbm>>
      %dma_wait3A_71 = tpu.memref_squeeze %dma_wait3A_70 : memref<1x100000xf32, #tpu.memory_space<hbm>> -> memref<100000xf32, #tpu.memory_space<hbm>>
      tpu.wait_dma2 semaphore(%run_scoped3A : memref<!tpu.dma_semaphore, #tpu.memory_space<semaphore_mem>>) src(%dma_wait3A_71 : memref<100000xf32, #tpu.memory_space<hbm>>) dst(%arg5 : memref<100000xf32, #tpu.memory_space<vmem>>)
      tpu.yield
    }) : () -> ()
    %scan3A = arith.constant 0 : i32
    %scan3A_38 = arith.constant 0 : i32
    %scan3A_39 = arith.constant 250 : i32
    %scan3A_40 = arith.addi %scan3A_38, %scan3A_39 : i32
    %scan3A_41 = arith.constant 1 : i32
    scf.for %scan3A_60 = %scan3A_38 to %scan3A_40 step %scan3A_41  : i32 {
      %mul3A_61 = arith.constant 2 : i32
      %mul3A_62 = arith.muli %mul3A_61, %scan3A_60 : i32
      %add3A_63 = arith.constant 0 : i32
      %add3A_64 = arith.addi %mul3A_62, %add3A_63 : i32
      %mul3A_65 = arith.constant 6400 : i32
      %mul3A_66 = arith.muli %add3A_64, %mul3A_65 : i32
      %dma_wait3A_67 = tpu.memref_slice %arg2[%mul3A_66] : memref<3200000xi32, #tpu.memory_space<hbm>> -> memref<6400xi32, #tpu.memory_space<hbm>>
      %dma_wait3A_68 = tpu.memref_slice %arg2[%mul3A_66] : memref<3200000xi32, #tpu.memory_space<hbm>> -> memref<6400xi32, #tpu.memory_space<hbm>>
      tpu.wait_dma2 semaphore(%arg10 : memref<!tpu.dma_semaphore, #tpu.memory_space<semaphore_mem>>) src(%dma_wait3A_68 : memref<6400xi32, #tpu.memory_space<hbm>>) dst(%arg6 : memref<6400xi32, #tpu.memory_space<vmem>>)
      %ge3A = arith.constant 2 : i32
      %ge3A_69 = arith.cmpi sge, %add3A_64, %ge3A : i32
      %convert_element_type3A = arith.extui %ge3A_69 : i1 to i32
      %cond3A = arith.constant 0 : i32
      %cond3A_70 = arith.cmpi ne, %convert_element_type3A, %cond3A : i32
      scf.if %cond3A_70 {
        %sub3A_199 = arith.constant 2 : i32
        %sub3A_200 = arith.subi %add3A_64, %sub3A_199 : i32
        %jit3A_201 = arith.constant 250 : i32
        %div3A_202 = arith.divsi %sub3A_200, %jit3A_201 : i32
        %sign3A_203 = arith.constant 0 : i32
        %sign3A_204 = arith.cmpi sgt, %sub3A_200, %sign3A_203 : i32
        %sign3A_205 = arith.extui %sign3A_204 : i1 to i32
        %sign3A_206 = arith.constant 0 : i32
        %sign3A_207 = arith.cmpi slt, %sub3A_200, %sign3A_206 : i32
        %sign3A_208 = arith.extui %sign3A_207 : i1 to i32
        %sign3A_209 = arith.subi %sign3A_205, %sign3A_208 : i32
        %sign3A_210 = arith.constant 0 : i32
        %sign3A_211 = arith.cmpi sgt, %jit3A_201, %sign3A_210 : i32
        %sign3A_212 = arith.extui %sign3A_211 : i1 to i32
        %sign3A_213 = arith.constant 0 : i32
        %sign3A_214 = arith.cmpi slt, %jit3A_201, %sign3A_213 : i32
        %sign3A_215 = arith.extui %sign3A_214 : i1 to i32
        %sign3A_216 = arith.subi %sign3A_212, %sign3A_215 : i32
        %ne3A_217 = arith.cmpi ne, %sign3A_209, %sign3A_216 : i32
        %rem3A_218 = arith.remsi %sub3A_200, %jit3A_201 : i32
        %ne3A_219 = arith.constant 0 : i32
        %ne3A_220 = arith.cmpi ne, %rem3A_218, %ne3A_219 : i32
        %and3A_221 = arith.andi %ne3A_217, %ne3A_220 : i1
        %sub3A_222 = arith.constant 1 : i32
        %sub3A_223 = arith.subi %div3A_202, %sub3A_222 : i32
        %select_n3A_224 = arith.select %and3A_221, %sub3A_223, %div3A_202 : i32
        %jit3A_225 = arith.constant 250 : i32
        %eq3A_226 = arith.constant 0 : i32
        %eq3A_227 = arith.cmpi eq, %jit3A_225, %eq3A_226 : i32
        %jit3A_228 = arith.constant 1 : i32
        %select_n3A_229 = arith.select %eq3A_227, %jit3A_228, %jit3A_225 : i32
        %rem3A_230 = arith.remsi %sub3A_200, %select_n3A_229 : i32
        %ne3A_231 = arith.constant 0 : i32
        %ne3A_232 = arith.cmpi ne, %rem3A_230, %ne3A_231 : i32
        %lt3A_233 = arith.constant 0 : i32
        %lt3A_234 = arith.cmpi slt, %rem3A_230, %lt3A_233 : i32
        %lt3A_235 = arith.constant 0 : i32
        %lt3A_236 = arith.cmpi slt, %select_n3A_229, %lt3A_235 : i32
        %ne3A_237 = arith.xori %lt3A_234, %lt3A_236 : i1
        %and3A_238 = arith.andi %ne3A_237, %ne3A_232 : i1
        %add3A_239 = arith.addi %rem3A_230, %select_n3A_229 : i32
        %select_n3A_240 = arith.select %and3A_238, %add3A_239, %rem3A_230 : i32
        %mul3A_241 = arith.constant 50 : i32
        %mul3A_242 = arith.muli %select_n3A_240, %mul3A_241 : i32
        %dma_wait3A_243 = arith.constant 0 : i32
        %dma_wait3A_244 = tpu.memref_slice %arg4[%select_n3A_224, %select_n3A, %mul3A_242, %select_n3A_30, %dma_wait3A_243] : memref<2x4x12500x8x128xf32, #tpu.memory_space<hbm>> -> memref<1x1x50x1x128xf32, #tpu.memory_space<hbm>>
        %dma_wait3A_245 = tpu.memref_squeeze %dma_wait3A_244 : memref<1x1x50x1x128xf32, #tpu.memory_space<hbm>> -> memref<50x128xf32, #tpu.memory_space<hbm>>
        %dma_wait3A_246 = arith.constant 0 : i32
        %dma_wait3A_247 = tpu.memref_slice %arg4[%select_n3A_224, %select_n3A, %mul3A_242, %select_n3A_30, %dma_wait3A_246] : memref<2x4x12500x8x128xf32, #tpu.memory_space<hbm>> -> memref<1x1x50x1x128xf32, #tpu.memory_space<hbm>>
        %dma_wait3A_248 = tpu.memref_squeeze %dma_wait3A_247 : memref<1x1x50x1x128xf32, #tpu.memory_space<hbm>> -> memref<50x128xf32, #tpu.memory_space<hbm>>
        tpu.wait_dma2 semaphore(%arg12 : memref<!tpu.dma_semaphore, #tpu.memory_space<semaphore_mem>>) src(%arg8 : memref<50x128xf32, #tpu.memory_space<vmem>>) dst(%dma_wait3A_248 : memref<50x128xf32, #tpu.memory_space<hbm>>)
      } else {
      }
      %parallel_loop3A = arith.constant 0 : i32
      %parallel_loop3A_71 = arith.constant 50 : i32
      %parallel_loop3A_72 = arith.constant 1 : i32
      scf.for %parallel_loop3A_199 = %parallel_loop3A to %parallel_loop3A_71 step %parallel_loop3A_72  : i32 {
        %parallel_loop3A_200 = arith.constant 128 : i32
        %parallel_loop3A_201 = arith.muli %parallel_loop3A_199, %parallel_loop3A_200 : i32
        %parallel_loop3A_202 = arith.constant 0 : i32
        %parallel_loop3A_203 = arith.addi %parallel_loop3A_201, %parallel_loop3A_202 : i32
        %parallel_loop3A_204 = arith.index_cast %parallel_loop3A_203 : i32 to index
        %parallel_loop3A_205 = tpu.vector_load %arg6[%parallel_loop3A_204] {strides = array<i32>} : memref<6400xi32, #tpu.memory_space<vmem>>, vector<16xi32>,
        %parallel_loop3A_206 = tpu.vector_load_idx %arg5[%parallel_loop3A_205] : memref<100000xf32, #tpu.memory_space<vmem>>[vector<16xi32>], vector<16xf32>,
        %parallel_loop3A_207 = arith.index_cast %parallel_loop3A_199 : i32 to index
        %parallel_loop3A_208 = arith.constant 0 : index
        %parallel_loop3A_209 = tpu.vector_load %arg8[%parallel_loop3A_207, %parallel_loop3A_208] {strides = array<i32>} : memref<50x128xf32, #tpu.memory_space<vmem>>, vector<16xf32>,
        tpu.vector_store %arg8[%parallel_loop3A_207, %parallel_loop3A_208], %parallel_loop3A_206 {strides = array<i32>} : memref<50x128xf32, #tpu.memory_space<vmem>>, vector<16xf32>,
        %parallel_loop3A_210 = arith.constant 128 : i32
        %parallel_loop3A_211 = arith.muli %parallel_loop3A_199, %parallel_loop3A_210 : i32
        %parallel_loop3A_212 = arith.constant 16 : i32
        %parallel_loop3A_213 = arith.addi %parallel_loop3A_211, %parallel_loop3A_212 : i32
        %parallel_loop3A_214 = arith.index_cast %parallel_loop3A_213 : i32 to index
        %parallel_loop3A_215 = tpu.vector_load %arg6[%parallel_loop3A_214] {strides = array<i32>} : memref<6400xi32, #tpu.memory_space<vmem>>, vector<16xi32>,
        %parallel_loop3A_216 = tpu.vector_load_idx %arg5[%parallel_loop3A_215] : memref<100000xf32, #tpu.memory_space<vmem>>[vector<16xi32>], vector<16xf32>,
        %parallel_loop3A_217 = arith.index_cast %parallel_loop3A_199 : i32 to index
        %parallel_loop3A_218 = arith.constant 16 : index
        %parallel_loop3A_219 = tpu.vector_load %arg8[%parallel_loop3A_217, %parallel_loop3A_218] {strides = array<i32>} : memref<50x128xf32, #tpu.memory_space<vmem>>, vector<16xf32>,
        tpu.vector_store %arg8[%parallel_loop3A_217, %parallel_loop3A_218], %parallel_loop3A_216 {strides = array<i32>} : memref<50x128xf32, #tpu.memory_space<vmem>>, vector<16xf32>,
        %parallel_loop3A_220 = arith.constant 128 : i32
        %parallel_loop3A_221 = arith.muli %parallel_loop3A_199, %parallel_loop3A_220 : i32
        %parallel_loop3A_222 = arith.constant 32 : i32
        %parallel_loop3A_223 = arith.addi %parallel_loop3A_221, %parallel_loop3A_222 : i32
        %parallel_loop3A_224 = arith.index_cast %parallel_loop3A_223 : i32 to index
        %parallel_loop3A_225 = tpu.vector_load %arg6[%parallel_loop3A_224] {strides = array<i32>} : memref<6400xi32, #tpu.memory_space<vmem>>, vector<16xi32>,
        %parallel_loop3A_226 = tpu.vector_load_idx %arg5[%parallel_loop3A_225] : memref<100000xf32, #tpu.memory_space<vmem>>[vector<16xi32>], vector<16xf32>,
        %parallel_loop3A_227 = arith.index_cast %parallel_loop3A_199 : i32 to index
        %parallel_loop3A_228 = arith.constant 32 : index
        %parallel_loop3A_229 = tpu.vector_load %arg8[%parallel_loop3A_227, %parallel_loop3A_228] {strides = array<i32>} : memref<50x128xf32, #tpu.memory_space<vmem>>, vector<16xf32>,
        tpu.vector_store %arg8[%parallel_loop3A_227, %parallel_loop3A_228], %parallel_loop3A_226 {strides = array<i32>} : memref<50x128xf32, #tpu.memory_space<vmem>>, vector<16xf32>,
        %parallel_loop3A_230 = arith.constant 128 : i32
        %parallel_loop3A_231 = arith.muli %parallel_loop3A_199, %parallel_loop3A_230 : i32
        %parallel_loop3A_232 = arith.constant 48 : i32
        %parallel_loop3A_233 = arith.addi %parallel_loop3A_231, %parallel_loop3A_232 : i32
        %parallel_loop3A_234 = arith.index_cast %parallel_loop3A_233 : i32 to index
        %parallel_loop3A_235 = tpu.vector_load %arg6[%parallel_loop3A_234] {strides = array<i32>} : memref<6400xi32, #tpu.memory_space<vmem>>, vector<16xi32>,
        %parallel_loop3A_236 = tpu.vector_load_idx %arg5[%parallel_loop3A_235] : memref<100000xf32, #tpu.memory_space<vmem>>[vector<16xi32>], vector<16xf32>,
        %parallel_loop3A_237 = arith.index_cast %parallel_loop3A_199 : i32 to index
        %parallel_loop3A_238 = arith.constant 48 : index
        %parallel_loop3A_239 = tpu.vector_load %arg8[%parallel_loop3A_237, %parallel_loop3A_238] {strides = array<i32>} : memref<50x128xf32, #tpu.memory_space<vmem>>, vector<16xf32>,
        tpu.vector_store %arg8[%parallel_loop3A_237, %parallel_loop3A_238], %parallel_loop3A_236 {strides = array<i32>} : memref<50x128xf32, #tpu.memory_space<vmem>>, vector<16xf32>,
        %parallel_loop3A_240 = arith.constant 128 : i32
        %parallel_loop3A_241 = arith.muli %parallel_loop3A_199, %parallel_loop3A_240 : i32
        %parallel_loop3A_242 = arith.constant 64 : i32
        %parallel_loop3A_243 = arith.addi %parallel_loop3A_241, %parallel_loop3A_242 : i32
        %parallel_loop3A_244 = arith.index_cast %parallel_loop3A_243 : i32 to index
        %parallel_loop3A_245 = tpu.vector_load %arg6[%parallel_loop3A_244] {strides = array<i32>} : memref<6400xi32, #tpu.memory_space<vmem>>, vector<16xi32>,
        %parallel_loop3A_246 = tpu.vector_load_idx %arg5[%parallel_loop3A_245] : memref<100000xf32, #tpu.memory_space<vmem>>[vector<16xi32>], vector<16xf32>,
        %parallel_loop3A_247 = arith.index_cast %parallel_loop3A_199 : i32 to index
        %parallel_loop3A_248 = arith.constant 64 : index
        %parallel_loop3A_249 = tpu.vector_load %arg8[%parallel_loop3A_247, %parallel_loop3A_248] {strides = array<i32>} : memref<50x128xf32, #tpu.memory_space<vmem>>, vector<16xf32>,
        tpu.vector_store %arg8[%parallel_loop3A_247, %parallel_loop3A_248], %parallel_loop3A_246 {strides = array<i32>} : memref<50x128xf32, #tpu.memory_space<vmem>>, vector<16xf32>,
        %parallel_loop3A_250 = arith.constant 128 : i32
        %parallel_loop3A_251 = arith.muli %parallel_loop3A_199, %parallel_loop3A_250 : i32
        %parallel_loop3A_252 = arith.constant 80 : i32
        %parallel_loop3A_253 = arith.addi %parallel_loop3A_251, %parallel_loop3A_252 : i32
        %parallel_loop3A_254 = arith.index_cast %parallel_loop3A_253 : i32 to index
        %parallel_loop3A_255 = tpu.vector_load %arg6[%parallel_loop3A_254] {strides = array<i32>} : memref<6400xi32, #tpu.memory_space<vmem>>, vector<16xi32>,
        %parallel_loop3A_256 = tpu.vector_load_idx %arg5[%parallel_loop3A_255] : memref<100000xf32, #tpu.memory_space<vmem>>[vector<16xi32>], vector<16xf32>,
        %parallel_loop3A_257 = arith.index_cast %parallel_loop3A_199 : i32 to index
        %parallel_loop3A_258 = arith.constant 80 : index
        %parallel_loop3A_259 = tpu.vector_load %arg8[%parallel_loop3A_257, %parallel_loop3A_258] {strides = array<i32>} : memref<50x128xf32, #tpu.memory_space<vmem>>, vector<16xf32>,
        tpu.vector_store %arg8[%parallel_loop3A_257, %parallel_loop3A_258], %parallel_loop3A_256 {strides = array<i32>} : memref<50x128xf32, #tpu.memory_space<vmem>>, vector<16xf32>,
        %parallel_loop3A_260 = arith.constant 128 : i32
        %parallel_loop3A_261 = arith.muli %parallel_loop3A_199, %parallel_loop3A_260 : i32
        %parallel_loop3A_262 = arith.constant 96 : i32
        %parallel_loop3A_263 = arith.addi %parallel_loop3A_261, %parallel_loop3A_262 : i32
        %parallel_loop3A_264 = arith.index_cast %parallel_loop3A_263 : i32 to index
        %parallel_loop3A_265 = tpu.vector_load %arg6[%parallel_loop3A_264] {strides = array<i32>} : memref<6400xi32, #tpu.memory_space<vmem>>, vector<16xi32>,
        %parallel_loop3A_266 = tpu.vector_load_idx %arg5[%parallel_loop3A_265] : memref<100000xf32, #tpu.memory_space<vmem>>[vector<16xi32>], vector<16xf32>,
        %parallel_loop3A_267 = arith.index_cast %parallel_loop3A_199 : i32 to index
        %parallel_loop3A_268 = arith.constant 96 : index
        %parallel_loop3A_269 = tpu.vector_load %arg8[%parallel_loop3A_267, %parallel_loop3A_268] {strides = array<i32>} : memref<50x128xf32, #tpu.memory_space<vmem>>, vector<16xf32>,
        tpu.vector_store %arg8[%parallel_loop3A_267, %parallel_loop3A_268], %parallel_loop3A_266 {strides = array<i32>} : memref<50x128xf32, #tpu.memory_space<vmem>>, vector<16xf32>,
        %parallel_loop3A_270 = arith.constant 128 : i32
        %parallel_loop3A_271 = arith.muli %parallel_loop3A_199, %parallel_loop3A_270 : i32
        %parallel_loop3A_272 = arith.constant 112 : i32
        %parallel_loop3A_273 = arith.addi %parallel_loop3A_271, %parallel_loop3A_272 : i32
        %parallel_loop3A_274 = arith.index_cast %parallel_loop3A_273 : i32 to index
        %parallel_loop3A_275 = tpu.vector_load %arg6[%parallel_loop3A_274] {strides = array<i32>} : memref<6400xi32, #tpu.memory_space<vmem>>, vector<16xi32>,
        %parallel_loop3A_276 = tpu.vector_load_idx %arg5[%parallel_loop3A_275] : memref<100000xf32, #tpu.memory_space<vmem>>[vector<16xi32>], vector<16xf32>,
        %parallel_loop3A_277 = arith.index_cast %parallel_loop3A_199 : i32 to index
        %parallel_loop3A_278 = arith.constant 112 : index
        %parallel_loop3A_279 = tpu.vector_load %arg8[%parallel_loop3A_277, %parallel_loop3A_278] {strides = array<i32>} : memref<50x128xf32, #tpu.memory_space<vmem>>, vector<16xf32>,
        tpu.vector_store %arg8[%parallel_loop3A_277, %parallel_loop3A_278], %parallel_loop3A_276 {strides = array<i32>} : memref<50x128xf32, #tpu.memory_space<vmem>>, vector<16xf32>,
      } {sc.loop_unroll_factor = 10 : i64, sc.parallel_access}
      %jit3A_73 = arith.constant 250 : i32
      %div3A_74 = arith.divsi %add3A_64, %jit3A_73 : i32
      %sign3A_75 = arith.constant 0 : i32
      %sign3A_76 = arith.cmpi sgt, %add3A_64, %sign3A_75 : i32
      %sign3A_77 = arith.extui %sign3A_76 : i1 to i32
      %sign3A_78 = arith.constant 0 : i32
      %sign3A_79 = arith.cmpi slt, %add3A_64, %sign3A_78 : i32
      %sign3A_80 = arith.extui %sign3A_79 : i1 to i32
      %sign3A_81 = arith.subi %sign3A_77, %sign3A_80 : i32
      %sign3A_82 = arith.constant 0 : i32
      %sign3A_83 = arith.cmpi sgt, %jit3A_73, %sign3A_82 : i32
      %sign3A_84 = arith.extui %sign3A_83 : i1 to i32
      %sign3A_85 = arith.constant 0 : i32
      %sign3A_86 = arith.cmpi slt, %jit3A_73, %sign3A_85 : i32
      %sign3A_87 = arith.extui %sign3A_86 : i1 to i32
      %sign3A_88 = arith.subi %sign3A_84, %sign3A_87 : i32
      %ne3A_89 = arith.cmpi ne, %sign3A_81, %sign3A_88 : i32
      %rem3A_90 = arith.remsi %add3A_64, %jit3A_73 : i32
      %ne3A_91 = arith.constant 0 : i32
      %ne3A_92 = arith.cmpi ne, %rem3A_90, %ne3A_91 : i32
      %and3A_93 = arith.andi %ne3A_89, %ne3A_92 : i1
      %sub3A_94 = arith.constant 1 : i32
      %sub3A_95 = arith.subi %div3A_74, %sub3A_94 : i32
      %select_n3A_96 = arith.select %and3A_93, %sub3A_95, %div3A_74 : i32
      %jit3A_97 = arith.constant 250 : i32
      %eq3A_98 = arith.constant 0 : i32
      %eq3A_99 = arith.cmpi eq, %jit3A_97, %eq3A_98 : i32
      %jit3A_100 = arith.constant 1 : i32
      %select_n3A_101 = arith.select %eq3A_99, %jit3A_100, %jit3A_97 : i32
      %rem3A_102 = arith.remsi %add3A_64, %select_n3A_101 : i32
      %ne3A_103 = arith.constant 0 : i32
      %ne3A_104 = arith.cmpi ne, %rem3A_102, %ne3A_103 : i32
      %lt3A_105 = arith.constant 0 : i32
      %lt3A_106 = arith.cmpi slt, %rem3A_102, %lt3A_105 : i32
      %lt3A_107 = arith.constant 0 : i32
      %lt3A_108 = arith.cmpi slt, %select_n3A_101, %lt3A_107 : i32
      %ne3A_109 = arith.xori %lt3A_106, %lt3A_108 : i1
      %and3A_110 = arith.andi %ne3A_109, %ne3A_104 : i1
      %add3A_111 = arith.addi %rem3A_102, %select_n3A_101 : i32
      %select_n3A_112 = arith.select %and3A_110, %add3A_111, %rem3A_102 : i32
      %mul3A_113 = arith.constant 50 : i32
      %mul3A_114 = arith.muli %select_n3A_112, %mul3A_113 : i32
      %dma_start3A_115 = arith.constant 0 : i32
      %dma_start3A_116 = tpu.memref_slice %arg4[%select_n3A_96, %select_n3A, %mul3A_114, %select_n3A_30, %dma_start3A_115] : memref<2x4x12500x8x128xf32, #tpu.memory_space<hbm>> -> memref<1x1x50x1x128xf32, #tpu.memory_space<hbm>>
      %dma_start3A_117 = tpu.memref_squeeze %dma_start3A_116 : memref<1x1x50x1x128xf32, #tpu.memory_space<hbm>> -> memref<50x128xf32, #tpu.memory_space<hbm>>
      %dma_start3A_118 = arith.constant 0 : i32
      %dma_start3A_119 = tpu.memref_slice %arg4[%select_n3A_96, %select_n3A, %mul3A_114, %select_n3A_30, %dma_start3A_118] : memref<2x4x12500x8x128xf32, #tpu.memory_space<hbm>> -> memref<1x1x50x1x128xf32, #tpu.memory_space<hbm>>
      %dma_start3A_120 = tpu.memref_squeeze %dma_start3A_119 : memref<1x1x50x1x128xf32, #tpu.memory_space<hbm>> -> memref<50x128xf32, #tpu.memory_space<hbm>>
      tpu.enqueue_dma source(%arg8 : memref<50x128xf32, #tpu.memory_space<vmem>>) target(%dma_start3A_120 : memref<50x128xf32, #tpu.memory_space<hbm>>) target_semaphore(%arg12 : memref<!tpu.dma_semaphore, #tpu.memory_space<semaphore_mem>>)
      %add3A_121 = arith.constant 2 : i32
      %add3A_122 = arith.addi %add3A_64, %add3A_121 : i32
      %lt3A_123 = arith.constant 500 : i32
      %lt3A_124 = arith.cmpi slt, %add3A_122, %lt3A_123 : i32
      %convert_element_type3A_125 = arith.extui %lt3A_124 : i1 to i32
      %cond3A_126 = arith.constant 0 : i32
      %cond3A_127 = arith.cmpi ne, %convert_element_type3A_125, %cond3A_126 : i32
      scf.if %cond3A_127 {
        %add3A_199 = arith.constant 2 : i32
        %add3A_200 = arith.addi %add3A_64, %add3A_199 : i32
        %mul3A_201 = arith.constant 6400 : i32
        %mul3A_202 = arith.muli %add3A_200, %mul3A_201 : i32
        %dma_start3A_203 = tpu.memref_slice %arg2[%mul3A_202] : memref<3200000xi32, #tpu.memory_space<hbm>> -> memref<6400xi32, #tpu.memory_space<hbm>>
        %dma_start3A_204 = tpu.memref_slice %arg2[%mul3A_202] : memref<3200000xi32, #tpu.memory_space<hbm>> -> memref<6400xi32, #tpu.memory_space<hbm>>
        tpu.enqueue_dma source(%dma_start3A_204 : memref<6400xi32, #tpu.memory_space<hbm>>) target(%arg6 : memref<6400xi32, #tpu.memory_space<vmem>>) target_semaphore(%arg10 : memref<!tpu.dma_semaphore, #tpu.memory_space<semaphore_mem>>)
      } else {
      }
      %mul3A_128 = arith.constant 2 : i32
      %mul3A_129 = arith.muli %mul3A_128, %scan3A_60 : i32
      %add3A_130 = arith.constant 1 : i32
      %add3A_131 = arith.addi %mul3A_129, %add3A_130 : i32
      %mul3A_132 = arith.constant 6400 : i32
      %mul3A_133 = arith.muli %add3A_131, %mul3A_132 : i32
      %dma_wait3A_134 = tpu.memref_slice %arg2[%mul3A_133] : memref<3200000xi32, #tpu.memory_space<hbm>> -> memref<6400xi32, #tpu.memory_space<hbm>>
      %dma_wait3A_135 = tpu.memref_slice %arg2[%mul3A_133] : memref<3200000xi32, #tpu.memory_space<hbm>> -> memref<6400xi32, #tpu.memory_space<hbm>>
      tpu.wait_dma2 semaphore(%arg11 : memref<!tpu.dma_semaphore, #tpu.memory_space<semaphore_mem>>) src(%dma_wait3A_135 : memref<6400xi32, #tpu.memory_space<hbm>>) dst(%arg7 : memref<6400xi32, #tpu.memory_space<vmem>>)
      %ge3A_136 = arith.constant 2 : i32
      %ge3A_137 = arith.cmpi sge, %add3A_131, %ge3A_136 : i32
      %convert_element_type3A_138 = arith.extui %ge3A_137 : i1 to i32
      %cond3A_139 = arith.constant 0 : i32
      %cond3A_140 = arith.cmpi ne, %convert_element_type3A_138, %cond3A_139 : i32
      scf.if %cond3A_140 {
        %sub3A_199 = arith.constant 2 : i32
        %sub3A_200 = arith.subi %add3A_131, %sub3A_199 : i32
        %jit3A_201 = arith.constant 250 : i32
        %div3A_202 = arith.divsi %sub3A_200, %jit3A_201 : i32
        %sign3A_203 = arith.constant 0 : i32
        %sign3A_204 = arith.cmpi sgt, %sub3A_200, %sign3A_203 : i32
        %sign3A_205 = arith.extui %sign3A_204 : i1 to i32
        %sign3A_206 = arith.constant 0 : i32
        %sign3A_207 = arith.cmpi slt, %sub3A_200, %sign3A_206 : i32
        %sign3A_208 = arith.extui %sign3A_207 : i1 to i32
        %sign3A_209 = arith.subi %sign3A_205, %sign3A_208 : i32
        %sign3A_210 = arith.constant 0 : i32
        %sign3A_211 = arith.cmpi sgt, %jit3A_201, %sign3A_210 : i32
        %sign3A_212 = arith.extui %sign3A_211 : i1 to i32
        %sign3A_213 = arith.constant 0 : i32
        %sign3A_214 = arith.cmpi slt, %jit3A_201, %sign3A_213 : i32
        %sign3A_215 = arith.extui %sign3A_214 : i1 to i32
        %sign3A_216 = arith.subi %sign3A_212, %sign3A_215 : i32
        %ne3A_217 = arith.cmpi ne, %sign3A_209, %sign3A_216 : i32
        %rem3A_218 = arith.remsi %sub3A_200, %jit3A_201 : i32
        %ne3A_219 = arith.constant 0 : i32
        %ne3A_220 = arith.cmpi ne, %rem3A_218, %ne3A_219 : i32
        %and3A_221 = arith.andi %ne3A_217, %ne3A_220 : i1
        %sub3A_222 = arith.constant 1 : i32
        %sub3A_223 = arith.subi %div3A_202, %sub3A_222 : i32
        %select_n3A_224 = arith.select %and3A_221, %sub3A_223, %div3A_202 : i32
        %jit3A_225 = arith.constant 250 : i32
        %eq3A_226 = arith.constant 0 : i32
        %eq3A_227 = arith.cmpi eq, %jit3A_225, %eq3A_226 : i32
        %jit3A_228 = arith.constant 1 : i32
        %select_n3A_229 = arith.select %eq3A_227, %jit3A_228, %jit3A_225 : i32
        %rem3A_230 = arith.remsi %sub3A_200, %select_n3A_229 : i32
        %ne3A_231 = arith.constant 0 : i32
        %ne3A_232 = arith.cmpi ne, %rem3A_230, %ne3A_231 : i32
        %lt3A_233 = arith.constant 0 : i32
        %lt3A_234 = arith.cmpi slt, %rem3A_230, %lt3A_233 : i32
        %lt3A_235 = arith.constant 0 : i32
        %lt3A_236 = arith.cmpi slt, %select_n3A_229, %lt3A_235 : i32
        %ne3A_237 = arith.xori %lt3A_234, %lt3A_236 : i1
        %and3A_238 = arith.andi %ne3A_237, %ne3A_232 : i1
        %add3A_239 = arith.addi %rem3A_230, %select_n3A_229 : i32
        %select_n3A_240 = arith.select %and3A_238, %add3A_239, %rem3A_230 : i32
        %mul3A_241 = arith.constant 50 : i32
        %mul3A_242 = arith.muli %select_n3A_240, %mul3A_241 : i32
        %dma_wait3A_243 = arith.constant 0 : i32
        %dma_wait3A_244 = tpu.memref_slice %arg4[%select_n3A_224, %select_n3A, %mul3A_242, %select_n3A_30, %dma_wait3A_243] : memref<2x4x12500x8x128xf32, #tpu.memory_space<hbm>> -> memref<1x1x50x1x128xf32, #tpu.memory_space<hbm>>
        %dma_wait3A_245 = tpu.memref_squeeze %dma_wait3A_244 : memref<1x1x50x1x128xf32, #tpu.memory_space<hbm>> -> memref<50x128xf32, #tpu.memory_space<hbm>>
        %dma_wait3A_246 = arith.constant 0 : i32
        %dma_wait3A_247 = tpu.memref_slice %arg4[%select_n3A_224, %select_n3A, %mul3A_242, %select_n3A_30, %dma_wait3A_246] : memref<2x4x12500x8x128xf32, #tpu.memory_space<hbm>> -> memref<1x1x50x1x128xf32, #tpu.memory_space<hbm>>
        %dma_wait3A_248 = tpu.memref_squeeze %dma_wait3A_247 : memref<1x1x50x1x128xf32, #tpu.memory_space<hbm>> -> memref<50x128xf32, #tpu.memory_space<hbm>>
        tpu.wait_dma2 semaphore(%arg13 : memref<!tpu.dma_semaphore, #tpu.memory_space<semaphore_mem>>) src(%arg9 : memref<50x128xf32, #tpu.memory_space<vmem>>) dst(%dma_wait3A_248 : memref<50x128xf32, #tpu.memory_space<hbm>>)
      } else {
      }
      %parallel_loop3A_141 = arith.constant 0 : i32
      %parallel_loop3A_142 = arith.constant 50 : i32
      %parallel_loop3A_143 = arith.constant 1 : i32
      scf.for %parallel_loop3A_199 = %parallel_loop3A_141 to %parallel_loop3A_142 step %parallel_loop3A_143  : i32 {
        %parallel_loop3A_200 = arith.constant 128 : i32
        %parallel_loop3A_201 = arith.muli %parallel_loop3A_199, %parallel_loop3A_200 : i32
        %parallel_loop3A_202 = arith.constant 0 : i32
        %parallel_loop3A_203 = arith.addi %parallel_loop3A_201, %parallel_loop3A_202 : i32
        %parallel_loop3A_204 = arith.index_cast %parallel_loop3A_203 : i32 to index
        %parallel_loop3A_205 = tpu.vector_load %arg7[%parallel_loop3A_204] {strides = array<i32>} : memref<6400xi32, #tpu.memory_space<vmem>>, vector<16xi32>,
        %parallel_loop3A_206 = tpu.vector_load_idx %arg5[%parallel_loop3A_205] : memref<100000xf32, #tpu.memory_space<vmem>>[vector<16xi32>], vector<16xf32>,
        %parallel_loop3A_207 = arith.index_cast %parallel_loop3A_199 : i32 to index
        %parallel_loop3A_208 = arith.constant 0 : index
        %parallel_loop3A_209 = tpu.vector_load %arg9[%parallel_loop3A_207, %parallel_loop3A_208] {strides = array<i32>} : memref<50x128xf32, #tpu.memory_space<vmem>>, vector<16xf32>,
        tpu.vector_store %arg9[%parallel_loop3A_207, %parallel_loop3A_208], %parallel_loop3A_206 {strides = array<i32>} : memref<50x128xf32, #tpu.memory_space<vmem>>, vector<16xf32>,
        %parallel_loop3A_210 = arith.constant 128 : i32
        %parallel_loop3A_211 = arith.muli %parallel_loop3A_199, %parallel_loop3A_210 : i32
        %parallel_loop3A_212 = arith.constant 16 : i32
        %parallel_loop3A_213 = arith.addi %parallel_loop3A_211, %parallel_loop3A_212 : i32
        %parallel_loop3A_214 = arith.index_cast %parallel_loop3A_213 : i32 to index
        %parallel_loop3A_215 = tpu.vector_load %arg7[%parallel_loop3A_214] {strides = array<i32>} : memref<6400xi32, #tpu.memory_space<vmem>>, vector<16xi32>,
        %parallel_loop3A_216 = tpu.vector_load_idx %arg5[%parallel_loop3A_215] : memref<100000xf32, #tpu.memory_space<vmem>>[vector<16xi32>], vector<16xf32>,
        %parallel_loop3A_217 = arith.index_cast %parallel_loop3A_199 : i32 to index
        %parallel_loop3A_218 = arith.constant 16 : index
        %parallel_loop3A_219 = tpu.vector_load %arg9[%parallel_loop3A_217, %parallel_loop3A_218] {strides = array<i32>} : memref<50x128xf32, #tpu.memory_space<vmem>>, vector<16xf32>,
        tpu.vector_store %arg9[%parallel_loop3A_217, %parallel_loop3A_218], %parallel_loop3A_216 {strides = array<i32>} : memref<50x128xf32, #tpu.memory_space<vmem>>, vector<16xf32>,
        %parallel_loop3A_220 = arith.constant 128 : i32
        %parallel_loop3A_221 = arith.muli %parallel_loop3A_199, %parallel_loop3A_220 : i32
        %parallel_loop3A_222 = arith.constant 32 : i32
        %parallel_loop3A_223 = arith.addi %parallel_loop3A_221, %parallel_loop3A_222 : i32
        %parallel_loop3A_224 = arith.index_cast %parallel_loop3A_223 : i32 to index
        %parallel_loop3A_225 = tpu.vector_load %arg7[%parallel_loop3A_224] {strides = array<i32>} : memref<6400xi32, #tpu.memory_space<vmem>>, vector<16xi32>,
        %parallel_loop3A_226 = tpu.vector_load_idx %arg5[%parallel_loop3A_225] : memref<100000xf32, #tpu.memory_space<vmem>>[vector<16xi32>], vector<16xf32>,
        %parallel_loop3A_227 = arith.index_cast %parallel_loop3A_199 : i32 to index
        %parallel_loop3A_228 = arith.constant 32 : index
        %parallel_loop3A_229 = tpu.vector_load %arg9[%parallel_loop3A_227, %parallel_loop3A_228] {strides = array<i32>} : memref<50x128xf32, #tpu.memory_space<vmem>>, vector<16xf32>,
        tpu.vector_store %arg9[%parallel_loop3A_227, %parallel_loop3A_228], %parallel_loop3A_226 {strides = array<i32>} : memref<50x128xf32, #tpu.memory_space<vmem>>, vector<16xf32>,
        %parallel_loop3A_230 = arith.constant 128 : i32
        %parallel_loop3A_231 = arith.muli %parallel_loop3A_199, %parallel_loop3A_230 : i32
        %parallel_loop3A_232 = arith.constant 48 : i32
        %parallel_loop3A_233 = arith.addi %parallel_loop3A_231, %parallel_loop3A_232 : i32
        %parallel_loop3A_234 = arith.index_cast %parallel_loop3A_233 : i32 to index
        %parallel_loop3A_235 = tpu.vector_load %arg7[%parallel_loop3A_234] {strides = array<i32>} : memref<6400xi32, #tpu.memory_space<vmem>>, vector<16xi32>,
        %parallel_loop3A_236 = tpu.vector_load_idx %arg5[%parallel_loop3A_235] : memref<100000xf32, #tpu.memory_space<vmem>>[vector<16xi32>], vector<16xf32>,
        %parallel_loop3A_237 = arith.index_cast %parallel_loop3A_199 : i32 to index
        %parallel_loop3A_238 = arith.constant 48 : index
        %parallel_loop3A_239 = tpu.vector_load %arg9[%parallel_loop3A_237, %parallel_loop3A_238] {strides = array<i32>} : memref<50x128xf32, #tpu.memory_space<vmem>>, vector<16xf32>,
        tpu.vector_store %arg9[%parallel_loop3A_237, %parallel_loop3A_238], %parallel_loop3A_236 {strides = array<i32>} : memref<50x128xf32, #tpu.memory_space<vmem>>, vector<16xf32>,
        %parallel_loop3A_240 = arith.constant 128 : i32
        %parallel_loop3A_241 = arith.muli %parallel_loop3A_199, %parallel_loop3A_240 : i32
        %parallel_loop3A_242 = arith.constant 64 : i32
        %parallel_loop3A_243 = arith.addi %parallel_loop3A_241, %parallel_loop3A_242 : i32
        %parallel_loop3A_244 = arith.index_cast %parallel_loop3A_243 : i32 to index
        %parallel_loop3A_245 = tpu.vector_load %arg7[%parallel_loop3A_244] {strides = array<i32>} : memref<6400xi32, #tpu.memory_space<vmem>>, vector<16xi32>,
        %parallel_loop3A_246 = tpu.vector_load_idx %arg5[%parallel_loop3A_245] : memref<100000xf32, #tpu.memory_space<vmem>>[vector<16xi32>], vector<16xf32>,
        %parallel_loop3A_247 = arith.index_cast %parallel_loop3A_199 : i32 to index
        %parallel_loop3A_248 = arith.constant 64 : index
        %parallel_loop3A_249 = tpu.vector_load %arg9[%parallel_loop3A_247, %parallel_loop3A_248] {strides = array<i32>} : memref<50x128xf32, #tpu.memory_space<vmem>>, vector<16xf32>,
        tpu.vector_store %arg9[%parallel_loop3A_247, %parallel_loop3A_248], %parallel_loop3A_246 {strides = array<i32>} : memref<50x128xf32, #tpu.memory_space<vmem>>, vector<16xf32>,
        %parallel_loop3A_250 = arith.constant 128 : i32
        %parallel_loop3A_251 = arith.muli %parallel_loop3A_199, %parallel_loop3A_250 : i32
        %parallel_loop3A_252 = arith.constant 80 : i32
        %parallel_loop3A_253 = arith.addi %parallel_loop3A_251, %parallel_loop3A_252 : i32
        %parallel_loop3A_254 = arith.index_cast %parallel_loop3A_253 : i32 to index
        %parallel_loop3A_255 = tpu.vector_load %arg7[%parallel_loop3A_254] {strides = array<i32>} : memref<6400xi32, #tpu.memory_space<vmem>>, vector<16xi32>,
        %parallel_loop3A_256 = tpu.vector_load_idx %arg5[%parallel_loop3A_255] : memref<100000xf32, #tpu.memory_space<vmem>>[vector<16xi32>], vector<16xf32>,
        %parallel_loop3A_257 = arith.index_cast %parallel_loop3A_199 : i32 to index
        %parallel_loop3A_258 = arith.constant 80 : index
        %parallel_loop3A_259 = tpu.vector_load %arg9[%parallel_loop3A_257, %parallel_loop3A_258] {strides = array<i32>} : memref<50x128xf32, #tpu.memory_space<vmem>>, vector<16xf32>,
        tpu.vector_store %arg9[%parallel_loop3A_257, %parallel_loop3A_258], %parallel_loop3A_256 {strides = array<i32>} : memref<50x128xf32, #tpu.memory_space<vmem>>, vector<16xf32>,
        %parallel_loop3A_260 = arith.constant 128 : i32
        %parallel_loop3A_261 = arith.muli %parallel_loop3A_199, %parallel_loop3A_260 : i32
        %parallel_loop3A_262 = arith.constant 96 : i32
        %parallel_loop3A_263 = arith.addi %parallel_loop3A_261, %parallel_loop3A_262 : i32
        %parallel_loop3A_264 = arith.index_cast %parallel_loop3A_263 : i32 to index
        %parallel_loop3A_265 = tpu.vector_load %arg7[%parallel_loop3A_264] {strides = array<i32>} : memref<6400xi32, #tpu.memory_space<vmem>>, vector<16xi32>,
        %parallel_loop3A_266 = tpu.vector_load_idx %arg5[%parallel_loop3A_265] : memref<100000xf32, #tpu.memory_space<vmem>>[vector<16xi32>], vector<16xf32>,
        %parallel_loop3A_267 = arith.index_cast %parallel_loop3A_199 : i32 to index
        %parallel_loop3A_268 = arith.constant 96 : index
        %parallel_loop3A_269 = tpu.vector_load %arg9[%parallel_loop3A_267, %parallel_loop3A_268] {strides = array<i32>} : memref<50x128xf32, #tpu.memory_space<vmem>>, vector<16xf32>,
        tpu.vector_store %arg9[%parallel_loop3A_267, %parallel_loop3A_268], %parallel_loop3A_266 {strides = array<i32>} : memref<50x128xf32, #tpu.memory_space<vmem>>, vector<16xf32>,
        %parallel_loop3A_270 = arith.constant 128 : i32
        %parallel_loop3A_271 = arith.muli %parallel_loop3A_199, %parallel_loop3A_270 : i32
        %parallel_loop3A_272 = arith.constant 112 : i32
        %parallel_loop3A_273 = arith.addi %parallel_loop3A_271, %parallel_loop3A_272 : i32
        %parallel_loop3A_274 = arith.index_cast %parallel_loop3A_273 : i32 to index
        %parallel_loop3A_275 = tpu.vector_load %arg7[%parallel_loop3A_274] {strides = array<i32>} : memref<6400xi32, #tpu.memory_space<vmem>>, vector<16xi32>,
        %parallel_loop3A_276 = tpu.vector_load_idx %arg5[%parallel_loop3A_275] : memref<100000xf32, #tpu.memory_space<vmem>>[vector<16xi32>], vector<16xf32>,
        %parallel_loop3A_277 = arith.index_cast %parallel_loop3A_199 : i32 to index
        %parallel_loop3A_278 = arith.constant 112 : index
        %parallel_loop3A_279 = tpu.vector_load %arg9[%parallel_loop3A_277, %parallel_loop3A_278] {strides = array<i32>} : memref<50x128xf32, #tpu.memory_space<vmem>>, vector<16xf32>,
        tpu.vector_store %arg9[%parallel_loop3A_277, %parallel_loop3A_278], %parallel_loop3A_276 {strides = array<i32>} : memref<50x128xf32, #tpu.memory_space<vmem>>, vector<16xf32>,
      } {sc.loop_unroll_factor = 10 : i64, sc.parallel_access}
      %jit3A_144 = arith.constant 250 : i32
      %div3A_145 = arith.divsi %add3A_131, %jit3A_144 : i32
      %sign3A_146 = arith.constant 0 : i32
      %sign3A_147 = arith.cmpi sgt, %add3A_131, %sign3A_146 : i32
      %sign3A_148 = arith.extui %sign3A_147 : i1 to i32
      %sign3A_149 = arith.constant 0 : i32
      %sign3A_150 = arith.cmpi slt, %add3A_131, %sign3A_149 : i32
      %sign3A_151 = arith.extui %sign3A_150 : i1 to i32
      %sign3A_152 = arith.subi %sign3A_148, %sign3A_151 : i32
      %sign3A_153 = arith.constant 0 : i32
      %sign3A_154 = arith.cmpi sgt, %jit3A_144, %sign3A_153 : i32
      %sign3A_155 = arith.extui %sign3A_154 : i1 to i32
      %sign3A_156 = arith.constant 0 : i32
      %sign3A_157 = arith.cmpi slt, %jit3A_144, %sign3A_156 : i32
      %sign3A_158 = arith.extui %sign3A_157 : i1 to i32
      %sign3A_159 = arith.subi %sign3A_155, %sign3A_158 : i32
      %ne3A_160 = arith.cmpi ne, %sign3A_152, %sign3A_159 : i32
      %rem3A_161 = arith.remsi %add3A_131, %jit3A_144 : i32
      %ne3A_162 = arith.constant 0 : i32
      %ne3A_163 = arith.cmpi ne, %rem3A_161, %ne3A_162 : i32
      %and3A_164 = arith.andi %ne3A_160, %ne3A_163 : i1
      %sub3A_165 = arith.constant 1 : i32
      %sub3A_166 = arith.subi %div3A_145, %sub3A_165 : i32
      %select_n3A_167 = arith.select %and3A_164, %sub3A_166, %div3A_145 : i32
      %jit3A_168 = arith.constant 250 : i32
      %eq3A_169 = arith.constant 0 : i32
      %eq3A_170 = arith.cmpi eq, %jit3A_168, %eq3A_169 : i32
      %jit3A_171 = arith.constant 1 : i32
      %select_n3A_172 = arith.select %eq3A_170, %jit3A_171, %jit3A_168 : i32
      %rem3A_173 = arith.remsi %add3A_131, %select_n3A_172 : i32
      %ne3A_174 = arith.constant 0 : i32
      %ne3A_175 = arith.cmpi ne, %rem3A_173, %ne3A_174 : i32
      %lt3A_176 = arith.constant 0 : i32
      %lt3A_177 = arith.cmpi slt, %rem3A_173, %lt3A_176 : i32
      %lt3A_178 = arith.constant 0 : i32
      %lt3A_179 = arith.cmpi slt, %select_n3A_172, %lt3A_178 : i32
      %ne3A_180 = arith.xori %lt3A_177, %lt3A_179 : i1
      %and3A_181 = arith.andi %ne3A_180, %ne3A_175 : i1
      %add3A_182 = arith.addi %rem3A_173, %select_n3A_172 : i32
      %select_n3A_183 = arith.select %and3A_181, %add3A_182, %rem3A_173 : i32
      %mul3A_184 = arith.constant 50 : i32
      %mul3A_185 = arith.muli %select_n3A_183, %mul3A_184 : i32
      %dma_start3A_186 = arith.constant 0 : i32
      %dma_start3A_187 = tpu.memref_slice %arg4[%select_n3A_167, %select_n3A, %mul3A_185, %select_n3A_30, %dma_start3A_186] : memref<2x4x12500x8x128xf32, #tpu.memory_space<hbm>> -> memref<1x1x50x1x128xf32, #tpu.memory_space<hbm>>
      %dma_start3A_188 = tpu.memref_squeeze %dma_start3A_187 : memref<1x1x50x1x128xf32, #tpu.memory_space<hbm>> -> memref<50x128xf32, #tpu.memory_space<hbm>>
      %dma_start3A_189 = arith.constant 0 : i32
      %dma_start3A_190 = tpu.memref_slice %arg4[%select_n3A_167, %select_n3A, %mul3A_185, %select_n3A_30, %dma_start3A_189] : memref<2x4x12500x8x128xf32, #tpu.memory_space<hbm>> -> memref<1x1x50x1x128xf32, #tpu.memory_space<hbm>>
      %dma_start3A_191 = tpu.memref_squeeze %dma_start3A_190 : memref<1x1x50x1x128xf32, #tpu.memory_space<hbm>> -> memref<50x128xf32, #tpu.memory_space<hbm>>
      tpu.enqueue_dma source(%arg9 : memref<50x128xf32, #tpu.memory_space<vmem>>) target(%dma_start3A_191 : memref<50x128xf32, #tpu.memory_space<hbm>>) target_semaphore(%arg13 : memref<!tpu.dma_semaphore, #tpu.memory_space<semaphore_mem>>)
      %add3A_192 = arith.constant 2 : i32
      %add3A_193 = arith.addi %add3A_131, %add3A_192 : i32
      %lt3A_194 = arith.constant 500 : i32
      %lt3A_195 = arith.cmpi slt, %add3A_193, %lt3A_194 : i32
      %convert_element_type3A_196 = arith.extui %lt3A_195 : i1 to i32
      %cond3A_197 = arith.constant 0 : i32
      %cond3A_198 = arith.cmpi ne, %convert_element_type3A_196, %cond3A_197 : i32
      scf.if %cond3A_198 {
        %add3A_199 = arith.constant 2 : i32
        %add3A_200 = arith.addi %add3A_131, %add3A_199 : i32
        %mul3A_201 = arith.constant 6400 : i32
        %mul3A_202 = arith.muli %add3A_200, %mul3A_201 : i32
        %dma_start3A_203 = tpu.memref_slice %arg2[%mul3A_202] : memref<3200000xi32, #tpu.memory_space<hbm>> -> memref<6400xi32, #tpu.memory_space<hbm>>
        %dma_start3A_204 = tpu.memref_slice %arg2[%mul3A_202] : memref<3200000xi32, #tpu.memory_space<hbm>> -> memref<6400xi32, #tpu.memory_space<hbm>>
        tpu.enqueue_dma source(%dma_start3A_204 : memref<6400xi32, #tpu.memory_space<hbm>>) target(%arg7 : memref<6400xi32, #tpu.memory_space<vmem>>) target_semaphore(%arg11 : memref<!tpu.dma_semaphore, #tpu.memory_space<semaphore_mem>>)
      } else {
      }
    }
    %scan3A_42 = arith.constant 250 : i32
    %dma_wait3A = arith.constant 1 : i32
    %dma_wait3A_43 = arith.constant 12400 : i32
    %dma_wait3A_44 = arith.constant 0 : i32
    %dma_wait3A_45 = tpu.memref_slice %arg4[%dma_wait3A, %select_n3A, %dma_wait3A_43, %select_n3A_30, %dma_wait3A_44] : memref<2x4x12500x8x128xf32, #tpu.memory_space<hbm>> -> memref<1x1x50x1x128xf32, #tpu.memory_space<hbm>>
    %dma_wait3A_46 = tpu.memref_squeeze %dma_wait3A_45 : memref<1x1x50x1x128xf32, #tpu.memory_space<hbm>> -> memref<50x128xf32, #tpu.memory_space<hbm>>
    %dma_wait3A_47 = arith.constant 12400 : i32
    %dma_wait3A_48 = arith.constant 0 : i32
    %dma_wait3A_49 = tpu.memref_slice %arg4[%dma_wait3A, %select_n3A, %dma_wait3A_47, %select_n3A_30, %dma_wait3A_48] : memref<2x4x12500x8x128xf32, #tpu.memory_space<hbm>> -> memref<1x1x50x1x128xf32, #tpu.memory_space<hbm>>
    %dma_wait3A_50 = tpu.memref_squeeze %dma_wait3A_49 : memref<1x1x50x1x128xf32, #tpu.memory_space<hbm>> -> memref<50x128xf32, #tpu.memory_space<hbm>>
    tpu.wait_dma2 semaphore(%arg12 : memref<!tpu.dma_semaphore, #tpu.memory_space<semaphore_mem>>) src(%arg8 : memref<50x128xf32, #tpu.memory_space<vmem>>) dst(%dma_wait3A_50 : memref<50x128xf32, #tpu.memory_space<hbm>>)
    %dma_wait3A_51 = arith.constant 1 : i32
    %dma_wait3A_52 = arith.constant 12450 : i32
    %dma_wait3A_53 = arith.constant 0 : i32
    %dma_wait3A_54 = tpu.memref_slice %arg4[%dma_wait3A_51, %select_n3A, %dma_wait3A_52, %select_n3A_30, %dma_wait3A_53] : memref<2x4x12500x8x128xf32, #tpu.memory_space<hbm>> -> memref<1x1x50x1x128xf32, #tpu.memory_space<hbm>>
    %dma_wait3A_55 = tpu.memref_squeeze %dma_wait3A_54 : memref<1x1x50x1x128xf32, #tpu.memory_space<hbm>> -> memref<50x128xf32, #tpu.memory_space<hbm>>
    %dma_wait3A_56 = arith.constant 12450 : i32
    %dma_wait3A_57 = arith.constant 0 : i32
    %dma_wait3A_58 = tpu.memref_slice %arg4[%dma_wait3A_51, %select_n3A, %dma_wait3A_56, %select_n3A_30, %dma_wait3A_57] : memref<2x4x12500x8x128xf32, #tpu.memory_space<hbm>> -> memref<1x1x50x1x128xf32, #tpu.memory_space<hbm>>
    %dma_wait3A_59 = tpu.memref_squeeze %dma_wait3A_58 : memref<1x1x50x1x128xf32, #tpu.memory_space<hbm>> -> memref<50x128xf32, #tpu.memory_space<hbm>>
    tpu.wait_dma2 semaphore(%arg13 : memref<!tpu.dma_semaphore, #tpu.memory_space<semaphore_mem>>) src(%arg9 : memref<50x128xf32, #tpu.memory_space<vmem>>) dst(%dma_wait3A_59 : memref<50x128xf32, #tpu.memory_space<hbm>>)
    return
  }
}

module attributes {stable_mosaic.version = 14 : i64} {
  func.func @sk(%arg0: i32, %arg1: memref<32x12800xf32, #tpu.memory_space<vmem>>, %arg2: memref<32x12800xf32, #tpu.memory_space<vmem>>) attributes {dimension_semantics = [#tpu.dimension_semantics<arbitrary>], iteration_bounds = array<i64: 8>, scalar_prefetch = 0 : i64, scratch_operands = 0 : i64, tpu.core_type = #tpu.core_type<tc>, window_params = [{transform_indices = @transform_0, window_bounds = array<i64: 32, 12800>}, {transform_indices = @transform_1, window_bounds = array<i64: 32, 12800>}]} {
    %get3A = arith.constant 0 : index
    %get3A_0 = arith.constant 0 : index
    %get3A_1 = vector.load %arg1[%get3A, %get3A_0] : memref<32x12800xf32, #tpu.memory_space<vmem>>, vector<32x12800xf32>
    %mul3A = arith.mulf %get3A_1, %get3A_1 : vector<32x12800xf32>
    %reduce_sum3A = arith.constant dense<0.000000e+00> : vector<12800xf32>
    %reduce_sum3A_2 = vector.multi_reduction <add>, %mul3A, %reduce_sum3A [0] : vector<32x12800xf32> to vector<12800xf32>
    %broadcast_in_dim3A = vector.shape_cast %reduce_sum3A_2 : vector<12800xf32> to vector<1x12800xf32>
    %max3A = arith.constant 1.000000e-24 : f32
    %max3A_3 = vector.broadcast %max3A : f32 to vector<1x12800xf32>
    %max3A_4 = arith.maximumf %broadcast_in_dim3A, %max3A_3 : vector<1x12800xf32>
    %rsqrt3A = math.rsqrt %max3A_4 : vector<1x12800xf32>
    %mul3A_5 = vector.broadcast %rsqrt3A : vector<1x12800xf32> to vector<32x12800xf32>
    %mul3A_6 = arith.mulf %get3A_1, %mul3A_5 : vector<32x12800xf32>
    %swap3A = arith.constant 0 : index
    %swap3A_7 = arith.constant 0 : index
    %swap3A_8 = vector.load %arg2[%swap3A, %swap3A_7] : memref<32x12800xf32, #tpu.memory_space<vmem>>, vector<32x12800xf32>
    tpu.vector_store %arg2[%swap3A, %swap3A_7], %mul3A_6 {strides = array<i32>} : memref<32x12800xf32, #tpu.memory_space<vmem>>, vector<32x12800xf32>,
    return
  }
  func.func @transform_0(%arg0: i32) -> (i32, i32) {
    %c0_i32 = arith.constant 0 : i32
    %c0_i32_0 = arith.constant 0 : i32
    return %c0_i32, %arg0 : i32, i32
  }
  func.func @transform_1(%arg0: i32) -> (i32, i32) {
    %c0_i32 = arith.constant 0 : i32
    %c0_i32_0 = arith.constant 0 : i32
    return %c0_i32, %arg0 : i32, i32
  }
}

module attributes {stable_mosaic.version = 14 : i64} {
  func.func @mm(%arg0: i32, %arg1: memref<32x16xf32, #tpu.memory_space<vmem>>, %arg2: memref<16x12800xf32, #tpu.memory_space<vmem>>, %arg3: memref<32x12800xf32, #tpu.memory_space<vmem>>) attributes {dimension_semantics = [#tpu.dimension_semantics<arbitrary>], iteration_bounds = array<i64: 125>, scalar_prefetch = 0 : i64, scratch_operands = 0 : i64, tpu.core_type = #tpu.core_type<tc>, window_params = [{pipeline_mode = #tpu.pipeline_mode<synchronous>, transform_indices = @transform_0, window_bounds = array<i64: 32, 16>}, {transform_indices = @transform_1, window_bounds = array<i64: 16, 12800>}, {transform_indices = @transform_2, window_bounds = array<i64: 32, 12800>}]} {
    %get3A = arith.constant 0 : index
    %get3A_0 = arith.constant 0 : index
    %get3A_1 = vector.load %arg1[%get3A, %get3A_0] : memref<32x16xf32, #tpu.memory_space<vmem>>, vector<32x16xf32>
    %get3A_2 = arith.constant 0 : index
    %get3A_3 = arith.constant 0 : index
    %get3A_4 = vector.load %arg2[%get3A_2, %get3A_3] : memref<16x12800xf32, #tpu.memory_space<vmem>>, vector<16x12800xf32>
    %dot_general3A = arith.constant dense<0.000000e+00> : vector<32x12800xf32>
    %dot_general3A_5 = tpu.matmul %get3A_1, %get3A_4, %dot_general3A {dimension_numbers = #tpu.dot_dimension_numbers<[1], [0], [0], [1], [0, 0, 1, 1], [], []>, transpose_lhs_hint = false} : vector<32x16xf32>, vector<16x12800xf32>, vector<32x12800xf32> -> vector<32x12800xf32>
    %swap3A = arith.constant 0 : index
    %swap3A_6 = arith.constant 0 : index
    %swap3A_7 = vector.load %arg3[%swap3A, %swap3A_6] : memref<32x12800xf32, #tpu.memory_space<vmem>>, vector<32x12800xf32>
    tpu.vector_store %arg3[%swap3A, %swap3A_6], %dot_general3A_5 {strides = array<i32>} : memref<32x12800xf32, #tpu.memory_space<vmem>>, vector<32x12800xf32>,
    return
  }
  func.func @transform_0(%arg0: i32) -> (i32, i32) {
    %c0_i32 = arith.constant 0 : i32
    %c0_i32_0 = arith.constant 0 : i32
    %c0_i32_1 = arith.constant 0 : i32
    return %c0_i32, %c0_i32_0 : i32, i32
  }
  func.func @transform_1(%arg0: i32) -> (i32, i32) {
    %c0_i32 = arith.constant 0 : i32
    %c0_i32_0 = arith.constant 0 : i32
    return %c0_i32, %arg0 : i32, i32
  }
  func.func @transform_2(%arg0: i32) -> (i32, i32) {
    %c0_i32 = arith.constant 0 : i32
    %c0_i32_0 = arith.constant 0 : i32
    return %c0_i32, %arg0 : i32, i32
  }
}

</mosaic_0001>

<sc_bundles>
// kernel: kernel.5.cloned.1.call-start
scs
__scs_entry_jumppad:
0x0: {  	(pc) =	sbr.rel $0x88, $3  }
0x1: {  	(tag) =	ssettag $0x0;
	lr =	simm.s32 $0x1  }
0x2: {  	[smem:$0x3F9D] =	sst lr;
	_ =	strace $0xD0000000  }
0x3: {  	_ = 	snop  }
0x4: {  	_ = 	snop  }
0x5: {  	_ = 	snop  }
0x6: {  	_ = 	snop  }
0x7: {  	_ = 	snop  }
__scs_overlays_trampoline_lowered:
0x8: {  	[smem:$0x3FAC] =	sst s0  }
0x9: {  	[smem:$0x3FAD] =	sst s1  }
0xa: {  	[smem:$0x3FAE] =	sst s2  }
0xb: {  	[smem:$0x3FAF] =	sst s3  }
0xc: {  	[smem:$0x3FB0] =	sst s4  }
0xd: {  	[smem:$0x3FB1] =	sst s5  }
0xe: {  	[smem:$0x3FB2] =	sst s6  }
0xf: {  	[smem:$0x3FB3] =	sst s7  }
0x10: {  	[smem:$0x3FB4] =	sst s8  }
0x11: {  	[smem:$0x3FB5] =	sst s9;
	s0 =	simm.s32 @!p0 $0x0  }
0x12: {  	s1 =	sld [smem:$0x3F9B];
	s0 =	simm.s32 @p0 $0x1  }
0x13: {  	[smem:$0x3FB6] =	sst s0;
	s0 =	simm.s32 @!p1 $0x0  }
0x14: {  	s2 =	sld [smem:$0x3F9A];
	s0 =	simm.s32 @p1 $0x1  }
0x15: {  	[smem:$0x3FB7] =	sst s0;
	s0 =	simm.s32 @!p2 $0x0  }
0x16: {  	s3 =	sld [smem:$0x3FDB];
	s0 =	simm.s32 @p2 $0x1  }
0x17: {  	s4 =	simm.s32 $0x1BF5;
	[smem:$0x3FB9] =	sst s0  }
0x18: {  	s0 =	sld [smem:$0x3F9C];
	_ =	swait.ge [sflag:s4], $0x0  }
0x19: {  	s7 =	sld [smem:$0x3F9D]  }
0x1a: {  	s8 =	sadd.s32 $0xFFFFE003, lr  }
0x1b: {  	s9 =	sadd.s32 $0xFFFFFEF7, lr;
	s5 =	simm.s32 $0xFFFFFFFF;
	p2 =	slt.u32 s8, $0xFFFFF086  }
0x1c: {  	p1 =	slt.u32 s9, $0xF7A;
	s5 =	simm.s32 @!p2 $0x0  }
0x1d: {  	s5 =	simm.s32 @p1 $0x1;
	p0 =	seq.s32 s7, s2  }
0x1e: {  	s7 =	smul.u32 @!p0 $0xF7A, s2;
	p2 =	seq.s32 @!p0 s5, $0x0  }
0x1f: {  	s9 =	smul.u32 $0xF7A, s1;
	s8 =	simm.s32 @!p0 $0x1BF5;
	p2 =	por !p2, p0  }
0x20: {  	[sflag:s8] =	ssyncset.s32 @!p0 $0xFFFFF086;
	s6 =	sadd.s32 @!p0 s3, s7;
	s7 =	simm.s32 @!p0 $0x108  }
0x21: {  	s3 =	sadd.s32 s3, s9;
	s6 =	sadd.s32 @!p0 $0x88, s6;
	s7 =	simm.s32 @p2 $0x1082  }
0x22: {  	[simem:s7], [sflag:s8] =	dma.local @!p0 [hbm:s6], $0xF7A  }
0x23: {  	s9 =	sor.u32 $0xD0000000, s2;
	s6 =	simm.s32 $0x108;
	_ =	swait.ge @!p0 [sflag:s8], $0x0  }
0x24: {  	s3 =	sadd.s32 $0x88, s3;
	s6 =	simm.s32 @!p1 $0x1082;
	[sflag:s4] =	ssyncset.s32 $0xFFFFF086  }
0x25: {  	[simem:s6], [sflag:s4] =	dma.local [hbm:s3], $0xF7A  }
0x26: {  	[smem:$0x3F9D] =	sst s1;
	(tag) =	ssettag s2;
	_ =	strace s9  }
0x27: {  	s1 =	sld [smem:$0x3FAD]  }
0x28: {  	s2 =	sld [smem:$0x3FAE]  }
0x29: {  	s4 =	sld [smem:$0x3FB0]  }
0x2a: {  	p0 =	seq.s32 s5, $0x0;
	s5 =	sld [smem:$0x3FB1]  }
0x2b: {  	s6 =	sld [smem:$0x3FB2]  }
0x2c: {  	s7 =	sld [smem:$0x3FB3]  }
0x2d: {  	s3 =	simm.s32 $0x108;
	s8 =	sld [smem:$0x3FB4]  }
0x2e: {  	s3 =	simm.s32 @!p0 $0x1082;
	s9 =	sld [smem:$0x3FB5]  }
0x2f: {  	lr =	sadd.s32 s0, s3;
	s0 =	sld [smem:$0x3FAC]  }
0x30: {  	s3 =	sld [smem:$0x3FAF]  }
0x31: {  	[smem:$0x3FB8] =	sst s10  }
0x32: {  	s10 =	sld [smem:$0x3FB6];
	_ =	sdelay $0x3  }
0x33: {  	p0 =	seq.s32 s10, $0x1;
	s10 =	sld [smem:$0x3FB8];
	_ =	sdelay $0x3  }
0x34: {  	[smem:$0x3FB8] =	sst s10  }
0x35: {  	s10 =	sld [smem:$0x3FB7];
	_ =	sdelay $0x3  }
0x36: {  	p1 =	seq.s32 s10, $0x1;
	s10 =	sld [smem:$0x3FB8];
	_ =	sdelay $0x3  }
0x37: {  	[smem:$0x3FB8] =	sst s10  }
0x38: {  	s10 =	sld [smem:$0x3FB9]  }
0x39: {  	_ = 	snop;
	(pc) =	sbr.ind lr, $3  }
0x3a: {  	_ = 	snop  }
0x3b: {  	_ = 	snop  }
0x3c: {  	p2 =	seq.s32 s10, $0x1;
	s10 =	sld [smem:$0x3FB8]  }
0x3d: {  	_ =	shalt  }
0x3e: {  	_ =	shalt  }
0x3f: {  	_ =	shalt  }
0x40: {  	_ =	shalt  }
0x41: {  	_ =	shalt  }
0x42: {  	_ =	shalt  }
0x43: {  	_ =	shalt  }
0x44: {  	_ =	shalt  }
0x45: {  	_ =	shalt  }
0x46: {  	_ =	shalt  }
0x47: {  	_ =	shalt  }
0x48: {  	_ =	shalt  }
0x49: {  	_ =	shalt  }
0x4a: {  	_ =	shalt  }
0x4b: {  	_ =	shalt  }
0x4c: {  	_ =	shalt  }
0x4d: {  	_ =	shalt  }
0x4e: {  	_ =	shalt  }
0x4f: {  	_ =	shalt  }
0x50: {  	_ =	shalt  }
0x51: {  	_ =	shalt  }
0x52: {  	_ =	shalt  }
0x53: {  	_ =	shalt  }
0x54: {  	_ =	shalt  }
0x55: {  	_ =	shalt  }
0x56: {  	_ =	shalt  }
0x57: {  	_ =	shalt  }
0x58: {  	_ =	shalt  }
0x59: {  	_ =	shalt  }
0x5a: {  	_ =	shalt  }
0x5b: {  	_ =	shalt  }
0x5c: {  	_ =	shalt  }
0x5d: {  	_ =	shalt  }
0x5e: {  	_ =	shalt  }
0x5f: {  	_ =	shalt  }
0x60: {  	_ =	shalt  }
0x61: {  	_ =	shalt  }
0x62: {  	_ =	shalt  }
0x63: {  	_ =	shalt  }
0x64: {  	_ =	shalt  }
0x65: {  	_ =	shalt  }
0x66: {  	_ =	shalt  }
0x67: {  	_ =	shalt  }
0x68: {  	_ =	shalt  }
0x69: {  	_ =	shalt  }
0x6a: {  	_ =	shalt  }
0x6b: {  	_ =	shalt  }
0x6c: {  	_ =	shalt  }
0x6d: {  	_ =	shalt  }
0x6e: {  	_ =	shalt  }
0x6f: {  	_ =	shalt  }
0x70: {  	_ =	shalt  }
0x71: {  	_ =	shalt  }
0x72: {  	_ =	shalt  }
0x73: {  	_ =	shalt  }
0x74: {  	_ =	shalt  }
0x75: {  	_ =	shalt  }
0x76: {  	_ =	shalt  }
0x77: {  	_ =	shalt  }
0x78: {  	_ =	shalt  }
0x79: {  	_ =	shalt  }
0x7a: {  	_ =	shalt  }
0x7b: {  	_ =	shalt  }
0x7c: {  	_ =	shalt  }
0x7d: {  	_ =	shalt  }
0x7e: {  	_ =	shalt  }
0x7f: {  	_ =	shalt  }
0x80: {  	_ =	shalt  }
0x81: {  	_ =	shalt  }
0x82: {  	_ =	shalt  }
0x83: {  	_ =	shalt  }
0x84: {  	_ =	shalt  }
0x85: {  	_ =	shalt  }
0x86: {  	_ =	shalt  }
0x87: {  	_ =	shalt  }
.Lfunc_end0:
.L_simem_size_0:
called_computation_lowered:
.L_overlay_start_0:
0x88: {  	s2 =	sld [smem:$0x3FD9]  }
0x89: {  	s3 =	sld [smem:$0x3FFE];
	_ =	sdelay $0x1  }
0x8a: {  	s1 =	srdreg.scid  }
0x8b: {  	s0 =	sand.u32 $0x1, s1  }
0x8c: {  	s14 =	sshll.u32 s0, $0xA;
	s2 =	sadd.s32 s3, s2  }
0x8d: {  	s2 =	sadd.s32 s2, s14  }
0x8e: {  	[smem:$0x3FC4] =	sst s2  }
0x8f: {  	_ = 	snop  }
0x90: {  	s2 =	sld [smem:$0x3FD0];
	_ =	sdelay $0x2  }
0x91: {  	s15 =	simm.s32 $0xA;
	s4 =	simm.s32 $0x10  }
0x92: {  	[smem:s4], [sflag:s15] =	dma.local [hbm:s2], $0x1  }
0x93: {  	_ =	swait.eq [sflag:s15], $0x1  }
0x94: {  	[sflag:s15] =	ssyncset.done $0x0  }
0x95: {  	[sflag:s15] =	ssyncadd.s32 $0xFFFFFFFF  }
0x96: {  	s16 =	sld [smem:$0x10];
	(tm) =	ssettm $0x1  }
0x97: {  	s17 =	sld [smem:$0x3FFB];
	_ =	sdelay $0x3  }
0x98: {  	_ =	strace s17  }
0x99: {  	s3 =	sld [smem:$0x3FFC];
	_ =	sdelay $0x3  }
0x9a: {  	_ =	strace s3  }
0x9b: {  	s3 =	sld [smem:$0x3FFD];
	_ =	sdelay $0x3  }
0x9c: {  	_ =	strace s3  }
0x9d: {  	_ =	strace $0x8FFFFFFF  }
0x9e: {  	s18 =	sld [smem:$0x3FDB];
	_ =	sdelay $0x1  }
0x9f: {  	s19 =	simm.s32 $_scs_section_size  }
0xa0: {  	s5 =	simm.s32 $_size__tile_overlayer_lowered;
	s6 =	simm.s32 $_tile_overlayer_lowered  }
0xa1: {  	s22 =	simm.s32 $0x1BFF;
	s21 =	sshll.u32 s6, $0x1;
	s3 =	sadd.s32 s19, s18  }
0xa2: {  	s7 =	simm.s32 $0x0;
	s20 =	sshll.u32 s5, $0x1;
	s5 =	sadd.s32 s21, s3  }
0xa3: {  	[timem:s7], [sflag:s22] =	dma.local [hbm:s5], s20  }
0xa4: {  	_ =	swait.ge [sflag:s22], s20  }
0xa5: {  	s4 =	ssub.s32 $0x0, s20;
	[sflag:s22] =	ssyncset.done $0x0  }
0xa6: {  	[sflag:s22] =	ssyncadd.s32 s4;
	_ =	sdelay $0x1  }
0xa7: {  	s23 =	simm.s32 $0x1B8B  }
0xa8: {  	_ =	swait.ge [sflag:s23], $0x1  }
0xa9: {  	[sflag:s23] =	ssyncset.done $0x0  }
0xaa: {  	s25 =	simm.s32 $0x1B8E;
	s24 =	sld [smem:$0x3FFE];
	[sflag:s23] =	ssyncadd.s32 $0xFFFFFFFF  }
0xab: {  	s26 =	simm.s32 $execute0_lowered;
	[smem:$0x3FD2] =	sst s25  }
0xac: {  	s5 =	sshll.u32 s26, $0x1;
	_ =	strace $0x80000046;
	[dreg:$0x1] =	wrdreg $0xFFFFFFFF  }
0xad: {  	s28 =	simm.s32 $_size_execute0_lowered;
	s3 =	sadd.s32 s3, s5;
	[dreg:$0x0] =	wrdreg $0x0  }
0xae: {  	s5 =	sshll.u32 s28, $0x1;
	[dreg:$0x2] =	wrdreg s3  }
0xaf: {  	[dreg:$0x3] =	wrdreg s5  }
0xb0: {  	[dreg:$0x4] =	wrdreg $0xC0  }
0xb1: {  	_ =	task [dreg:s7], $0x5FFFF  }
0xb2: {  	[dreg:$0x1] =	wrdreg $0xFFFFFFFF  }
0xb3: {  	[dreg:$0x0] =	wrdreg $0x60  }
0xb4: {  	[dreg:$0x2] =	wrdreg s24  }
0xb5: {  	[dreg:$0x3] =	wrdreg s16  }
0xb6: {  	[dreg:$0x4] =	wrdreg $0x9  }
0xb7: {  	_ =	task.clear_ibuf [dreg:s7], $0x5FFFF;
	_ =	strace $0x90000046  }
0xb8: {  	s29 =	simm.s32 $0x9;
	_ =	strace $0x80000048  }
0xb9: {  	_ =	swait.ge [sflag:s29], $0x1  }
0xba: {  	[sflag:s29] =	ssyncadd.s32 $0xFFFFFFFF  }
0xbb: {  	_ =	strace $0x90000048  }
0xbc: {  	_ =	sfence  }
0xbd: {  	s30 =	sld [smem:$0x0];
	_ =	sdelay $0x2  }
0xbe: {  	s31 =	sshll.u32 s1, $0xD;
	s1 =	sshrl.u32 s1, $0x2  }
0xbf: {  	s3 =	sand.u32 $0x4000, s31;
	s1 =	sadd.s32 s1, s30  }
0xc0: {  	s0 =	sor.u32 s3, s0;
	s1 =	sshll.u32 s1, $0x11  }
0xc1: {  	s0 =	sor.u32 s1, s0  }
0xc2: {  	s0 =	sadd.s32 $0x8F2B, s0  }
0xc3: {  	[sflag:s0] =	ssyncadd.remote.s32 $0x1  }
0xc4: {  	_ =	sfence.sel $0xFFFF  }
0xc5: {  	[dreg:$0x0] =	wrdreg $0xFFFFFFFF;
	(pc) =	sbr.abs _section_cstart, $3  }
0xc6: {  	[dreg:$0x1] =	wrdreg $0xFFFFFFFF  }
0xc7: {  	_ =	task.clear_ibuf [dreg:s7], $0x2FFFF;
	_ =	strace $0x9FFFFFFF  }
0xc8: {  	(tm) =	ssettm $0x7FFFFFFF  }
0xc9: {  	_ =	shalt  }
tec
execute0_lowered:
.L_overlay_start_1:
0x0: {  	(tag) =	ssettag $0x1  }
0x1: {  	s6 =	rddreg [dreg:$0x0]  }
0x2: {  	s1 =	rddreg [dreg:$0x1];
	s2 =	srdreg.scid  }
0x3: {  	s0 =	rddreg [dreg:$0x2];
	s3 =	simm.s32 $0x0;
	s12 =	simm.s32 $0x19FA0  }
0x4: {  	s13 =	simm.s32 $0x5;
	s14 =	simm.s32 $0x80;
	s15 =	simm.s32 $0x400  }
0x5: {  	s16 =	simm.s32 $0x1B8A0;
	s17 =	simm.s32 $0x2;
	s18 =	simm.s32 $0x1D1A0  }
0x6: {  	s19 =	simm.s32 $0x3;
	s20 =	simm.s32 $0x4;
	s21 =	simm.s32 $0x0  }
0x7: {  	s5 =	sand.u32 $0x1, s2;
	[smem:$0x7FF] =	sst s3;
	s2 =	stileid.u32  }
0x8: {  	s4 =	sshll.u32 s5, $0x4;
	_ =	strace $0x80000047;
	s9 =	sand.u32 $0x7, s2  }
0x9: {  	s5 =	ssub.s32 $0x2, s5;
	s11 =	sshll.u32 s2, $0x7;
	s7 =	sor.u32 s2, s4  }
0xa: {  	s4 =	sadd.s32 $0x600, s6;
	p1 =	sne.s32 s9, $0x0;
	s31 =	sshrl.u32 s5, $0x1  }
0xb: {  	s9 =	simm.s32 $0x1;
	s8 =	smul.u32 $0x30D4, s7;
	p0 =	seq.s32 s7, $0x0  }
.Ltmp0:
0xc: {  	s10 =	ssub.s32 s5, s31;
	p0 =	por !p1, !p0;
	(pc) =	sbr.rel .LBB2_1-.Ltmp0, $4  }
0xd: {  	s7 =	sshrl.u32 s7, $0x3;
	s5 =	simm.s32 $0x1;
	p0 =	por !p0, !p0  }
0xe: {  	s10 =	smax.u32 s10, $0x1;
	s8 =	sadd.s32 s8, s6;
	s9 =	simm.s32 @!p0 $0x0  }
0xf: {  	s6 =	sadd.s32 $0x920, s6;
	s9 =	ssub.s32 s7, s9;
	s7 =	sadd.s32 $0x62200, s8  }
0x10: {  	s8 =	smul.u32 $0xC35000, s9;
	s9 =	sand.u32 $0x380, s11;
	s11 =	simm.s32 $0x186A0  }
.LBB2_8:
0x11: {  	s21 =	sadd.s32 $0x1, s21  }
0x12: {  	_ =	swait.ge [sflag:s19], $0x1900;
	p0 =	sne.s32 s21, s10  }
.Ltmp1:
0x13: {  	[sflag:s19] =	ssyncset.done $0x0;
	(pc) =	sbr.rel @!p0 .LBB2_9-.Ltmp1, $4  }
0x14: {  	[sflag:s19] =	ssyncadd.s32 $0xFFFFE700  }
0x15: {  	_ =	swait.ge [sflag:s20], $0x1900  }
0x16: {  	[sflag:s20] =	ssyncset.done $0x0  }
0x17: {  	[sflag:s20] =	ssyncadd.s32 $0xFFFFE700  }
.LBB2_1:
0x18: {  	[tilespmem:s11], [sflag:$0x1] =	stream.linear.gather [hbm4b:s4+s3], $0x1900, $0x38;
	[tilespmem:$0x1EAA0] =	vst v63  }
0x19: {  	_ = 	snop  }
0x1a: {  	[tilespmem:s12], [sflag:$0x2] =	stream.linear.gather [hbm4b:s6+s3], $0x1900, $0x38;
	[tilespmem:$0x1EAA0] =	vst v63  }
0x1b: {  	_ = 	snop  }
0x1c: {  	[tilespmem:s3], [sflag:$0x5] =	stream.linear.gather [hbm4b:s7+s3], $0x186A0, $0x38;
	[tilespmem:$0x1EAA0] =	vst v63  }
0x1d: {  	_ =	swait.ge [sflag:s13], $0x186A0  }
0x1e: {  	[sflag:s13] =	ssyncset.done $0x0  }
0x1f: {  	s22 =	simm.s32 $0x0;
	[sflag:s13] =	ssyncadd.s32 $0xFFFE7960  }
.LBB2_2:
0x20: {  	_ =	swait.ge [sflag:s5], $0x1900  }
0x21: {  	p0 =	seq.s32 s22, $0x0;
	[sflag:s5] =	ssyncset.done $0x0  }
0x22: {  	s23 =	simm.s32 @!p0 $0x3;
	[sflag:s5] =	ssyncadd.s32 $0xFFFFE700  }
0x23: {  	_ =	swait.ge @!p0 [sflag:s23], $0x1900  }
0x24: {  	[sflag:s23] =	ssyncset.done @!p0 $0x0  }
0x25: {  	s31 =	simm.s32 $0x18920;
	[sflag:s23] =	ssyncadd.s32 @!p0 $0xFFFFE700  }
0x26: {  	v0 =	vld [tilespmem:s31+$0x200]  }
0x27: {  	v1 =	vld [tilespmem:s31+$0xFFFFFE00]  }
0x28: {  	v2 =	vld [tilespmem:s31+$0xFFFFFE80]  }
0x29: {  	v3 =	vld [tilespmem:s31+$0xFFFFFF00]  }
0x2a: {  	v4 =	vld [tilespmem:s31+$0xFFFFFF80]  }
0x2b: {  	v5 =	vld [tilespmem:s31+$0x0]  }
0x2c: {  	v6 =	vld [tilespmem:s31+$0x80]  }
0x2d: {  	v7 =	vld [tilespmem:s31+$0x100]  }
0x2e: {  	v8 =	vld [tilespmem:s31+$0x180]  }
0x2f: {  	v9 =	vld [tilespmem:s31+$0xFFFFFD80]  }
0x30: {  	v0 =	vld.idx.msk [tilespmem:v0+s3+$0x0], $0xffff  }
0x31: {  	v1 =	vld.idx.msk [tilespmem:v1+s3+$0x0], $0xffff  }
0x32: {  	v2 =	vld.idx.msk [tilespmem:v2+s3+$0x0], $0xffff  }
0x33: {  	v3 =	vld.idx.msk [tilespmem:v3+s3+$0x0], $0xffff  }
0x34: {  	v4 =	vld.idx.msk [tilespmem:v4+s3+$0x0], $0xffff  }
0x35: {  	v5 =	vld.idx.msk [tilespmem:v5+s3+$0x0], $0xffff  }
0x36: {  	v6 =	vld.idx.msk [tilespmem:v6+s3+$0x0], $0xffff  }
0x37: {  	s25 =	simm.s32 $0x1BB20;
	v9 =	vld.idx.msk [tilespmem:v9+s3+$0x0], $0xffff  }
0x38: {  	v7 =	vld.idx.msk [tilespmem:v7+s3+$0x0], $0xffff;
	[tilespmem:s25+$0x200] =	vst v0  }
0x39: {  	[tilespmem:s25+$0xFFFFFE00] =	vst v1;
	v1 =	vld.idx.msk [tilespmem:v8+s3+$0x0], $0xffff  }
0x3a: {  	v0 =	vld [tilespmem:s31+$0x210]  }
0x3b: {  	[tilespmem:s25+$0xFFFFFE80] =	vst v2;
	v2 =	vld [tilespmem:s31+$0xFFFFFE10]  }
0x3c: {  	[tilespmem:s25+$0xFFFFFF00] =	vst v3;
	v51 =	vld [tilespmem:s31+$0xFFFFFE90]  }
0x3d: {  	[tilespmem:s25+$0xFFFFFD80] =	vst v9;
	v3 =	vld [tilespmem:s31+$0xFFFFFF10]  }
0x3e: {  	[tilespmem:s25+$0xFFFFFF80] =	vst v4;
	v4 =	vld [tilespmem:s31+$0xFFFFFD90]  }
0x3f: {  	[tilespmem:s25+$0x0] =	vst v5;
	v5 =	vld [tilespmem:s31+$0xFFFFFF90]  }
0x40: {  	[tilespmem:s25+$0x80] =	vst v6;
	v6 =	vld [tilespmem:s31+$0x10]  }
0x41: {  	[tilespmem:s25+$0x100] =	vst v7;
	v7 =	vld [tilespmem:s31+$0x90]  }
0x42: {  	v52 =	vld [tilespmem:s31+$0x110];
	[tilespmem:s25+$0x180] =	vst v1  }
0x43: {  	v1 =	vld [tilespmem:s31+$0x190]  }
0x44: {  	v0 =	vld.idx.msk [tilespmem:v0+s3+$0x0], $0xffff  }
0x45: {  	v2 =	vld.idx.msk [tilespmem:v2+s3+$0x0], $0xffff  }
0x46: {  	v4 =	vld.idx.msk [tilespmem:v4+s3+$0x0], $0xffff  }
0x47: {  	v8 =	vld.idx.msk [tilespmem:v51+s3+$0x0], $0xffff  }
0x48: {  	v3 =	vld.idx.msk [tilespmem:v3+s3+$0x0], $0xffff  }
0x49: {  	v5 =	vld.idx.msk [tilespmem:v5+s3+$0x0], $0xffff  }
0x4a: {  	v6 =	vld.idx.msk [tilespmem:v6+s3+$0x0], $0xffff  }
0x4b: {  	v7 =	vld.idx.msk [tilespmem:v7+s3+$0x0], $0xffff  }
0x4c: {  	v9 =	vld.idx.msk [tilespmem:v52+s3+$0x0], $0xffff  }
0x4d: {  	[tilespmem:s25+$0x210] =	vst v0;
	v1 =	vld.idx.msk [tilespmem:v1+s3+$0x0], $0xffff  }
0x4e: {  	[tilespmem:s25+$0xFFFFFD90] =	vst v4;
	v0 =	vld [tilespmem:s31+$0x220]  }
0x4f: {  	[tilespmem:s25+$0xFFFFFE10] =	vst v2;
	v2 =	vld [tilespmem:s31+$0xFFFFFDA0]  }
0x50: {  	[tilespmem:s25+$0xFFFFFE90] =	vst v8;
	v4 =	vld [tilespmem:s31+$0xFFFFFE20]  }
0x51: {  	[tilespmem:s25+$0xFFFFFF10] =	vst v3;
	v8 =	vld [tilespmem:s31+$0xFFFFFEA0]  }
0x52: {  	[tilespmem:s25+$0xFFFFFF90] =	vst v5;
	v3 =	vld [tilespmem:s31+$0xFFFFFF20]  }
0x53: {  	[tilespmem:s25+$0x10] =	vst v6;
	v5 =	vld [tilespmem:s31+$0xFFFFFFA0]  }
0x54: {  	[tilespmem:s25+$0x90] =	vst v7;
	v6 =	vld [tilespmem:s31+$0x20]  }
0x55: {  	[tilespmem:s25+$0x110] =	vst v9;
	v7 =	vld [tilespmem:s31+$0xA0]  }
0x56: {  	[tilespmem:s25+$0x190] =	vst v1;
	v1 =	vld [tilespmem:s31+$0x120]  }
0x57: {  	v53 =	vld [tilespmem:s31+$0x1A0]  }
0x58: {  	v0 =	vld.idx.msk [tilespmem:v0+s3+$0x0], $0xffff  }
0x59: {  	v2 =	vld.idx.msk [tilespmem:v2+s3+$0x0], $0xffff  }
0x5a: {  	v4 =	vld.idx.msk [tilespmem:v4+s3+$0x0], $0xffff  }
0x5b: {  	v8 =	vld.idx.msk [tilespmem:v8+s3+$0x0], $0xffff  }
0x5c: {  	v3 =	vld.idx.msk [tilespmem:v3+s3+$0x0], $0xffff  }
0x5d: {  	v5 =	vld.idx.msk [tilespmem:v5+s3+$0x0], $0xffff  }
0x5e: {  	v6 =	vld.idx.msk [tilespmem:v6+s3+$0x0], $0xffff  }
0x5f: {  	v7 =	vld.idx.msk [tilespmem:v7+s3+$0x0], $0xffff  }
0x60: {  	v1 =	vld.idx.msk [tilespmem:v1+s3+$0x0], $0xffff;
	[tilespmem:s25+$0x220] =	vst v0  }
0x61: {  	[tilespmem:s25+$0xFFFFFDA0] =	vst v2;
	v2 =	vld.idx.msk [tilespmem:v53+s3+$0x0], $0xffff  }
0x62: {  	v0 =	vld [tilespmem:s31+$0x230]  }
0x63: {  	[tilespmem:s25+$0xFFFFFE20] =	vst v4;
	v4 =	vld [tilespmem:s31+$0xFFFFFDB0]  }
0x64: {  	[tilespmem:s25+$0xFFFFFEA0] =	vst v8;
	v54 =	vld [tilespmem:s31+$0xFFFFFE30]  }
0x65: {  	[tilespmem:s25+$0xFFFFFF20] =	vst v3;
	v3 =	vld [tilespmem:s31+$0xFFFFFEB0]  }
0x66: {  	[tilespmem:s25+$0xFFFFFFA0] =	vst v5;
	v5 =	vld [tilespmem:s31+$0xFFFFFF30]  }
0x67: {  	[tilespmem:s25+$0x20] =	vst v6;
	v55 =	vld [tilespmem:s31+$0xFFFFFFB0]  }
0x68: {  	[tilespmem:s25+$0xA0] =	vst v7;
	v6 =	vld [tilespmem:s31+$0x30]  }
0x69: {  	[tilespmem:s25+$0x120] =	vst v1;
	v1 =	vld [tilespmem:s31+$0xB0]  }
0x6a: {  	[tilespmem:s25+$0x1A0] =	vst v2;
	v2 =	vld [tilespmem:s31+$0x130]  }
0x6b: {  	v7 =	vld [tilespmem:s31+$0x1B0]  }
0x6c: {  	v0 =	vld.idx.msk [tilespmem:v0+s3+$0x0], $0xffff  }
0x6d: {  	v4 =	vld.idx.msk [tilespmem:v4+s3+$0x0], $0xffff  }
0x6e: {  	v8 =	vld.idx.msk [tilespmem:v54+s3+$0x0], $0xffff  }
0x6f: {  	v3 =	vld.idx.msk [tilespmem:v3+s3+$0x0], $0xffff  }
0x70: {  	v5 =	vld.idx.msk [tilespmem:v5+s3+$0x0], $0xffff  }
0x71: {  	v9 =	vld.idx.msk [tilespmem:v55+s3+$0x0], $0xffff  }
0x72: {  	v6 =	vld.idx.msk [tilespmem:v6+s3+$0x0], $0xffff  }
0x73: {  	v1 =	vld.idx.msk [tilespmem:v1+s3+$0x0], $0xffff  }
0x74: {  	v2 =	vld.idx.msk [tilespmem:v2+s3+$0x0], $0xffff  }
0x75: {  	[tilespmem:s25+$0x230] =	vst v0;
	v7 =	vld.idx.msk [tilespmem:v7+s3+$0x0], $0xffff  }
0x76: {  	[tilespmem:s25+$0xFFFFFDB0] =	vst v4;
	v0 =	vld [tilespmem:s31+$0x240]  }
0x77: {  	[tilespmem:s25+$0xFFFFFE30] =	vst v8;
	v4 =	vld [tilespmem:s31+$0xFFFFFDC0]  }
0x78: {  	[tilespmem:s25+$0xFFFFFEB0] =	vst v3;
	v3 =	vld [tilespmem:s31+$0xFFFFFE40]  }
0x79: {  	[tilespmem:s25+$0xFFFFFF30] =	vst v5;
	v5 =	vld [tilespmem:s31+$0xFFFFFEC0]  }
0x7a: {  	[tilespmem:s25+$0xFFFFFFB0] =	vst v9;
	v56 =	vld [tilespmem:s31+$0xFFFFFF40]  }
0x7b: {  	[tilespmem:s25+$0x30] =	vst v6;
	v6 =	vld [tilespmem:s31+$0xFFFFFFC0]  }
0x7c: {  	v57 =	vld [tilespmem:s31+$0x40];
	[tilespmem:s25+$0xB0] =	vst v1  }
0x7d: {  	[tilespmem:s25+$0x130] =	vst v2;
	v1 =	vld [tilespmem:s31+$0xC0]  }
0x7e: {  	[tilespmem:s25+$0x1B0] =	vst v7;
	v2 =	vld [tilespmem:s31+$0x140]  }
0x7f: {  	v7 =	vld [tilespmem:s31+$0x1C0]  }
0x80: {  	v0 =	vld.idx.msk [tilespmem:v0+s3+$0x0], $0xffff  }
0x81: {  	v4 =	vld.idx.msk [tilespmem:v4+s3+$0x0], $0xffff  }
0x82: {  	v3 =	vld.idx.msk [tilespmem:v3+s3+$0x0], $0xffff  }
0x83: {  	v5 =	vld.idx.msk [tilespmem:v5+s3+$0x0], $0xffff  }
0x84: {  	v8 =	vld.idx.msk [tilespmem:v56+s3+$0x0], $0xffff  }
0x85: {  	v6 =	vld.idx.msk [tilespmem:v6+s3+$0x0], $0xffff  }
0x86: {  	v9 =	vld.idx.msk [tilespmem:v57+s3+$0x0], $0xffff  }
0x87: {  	v1 =	vld.idx.msk [tilespmem:v1+s3+$0x0], $0xffff  }
0x88: {  	v2 =	vld.idx.msk [tilespmem:v2+s3+$0x0], $0xffff;
	[tilespmem:s25+$0x240] =	vst v0  }
0x89: {  	[tilespmem:s25+$0xFFFFFDC0] =	vst v4;
	v4 =	vld.idx.msk [tilespmem:v7+s3+$0x0], $0xffff  }
0x8a: {  	v0 =	vld [tilespmem:s31+$0x250]  }
0x8b: {  	[tilespmem:s25+$0xFFFFFE40] =	vst v3;
	v7 =	vld [tilespmem:s31+$0xFFFFFDD0]  }
0x8c: {  	[tilespmem:s25+$0xFFFFFEC0] =	vst v5;
	v3 =	vld [tilespmem:s31+$0xFFFFFE50]  }
0x8d: {  	[tilespmem:s25+$0xFFFFFF40] =	vst v8;
	v5 =	vld [tilespmem:s31+$0xFFFFFED0]  }
0x8e: {  	[tilespmem:s25+$0xFFFFFFC0] =	vst v6;
	v6 =	vld [tilespmem:s31+$0xFFFFFF50]  }
0x8f: {  	[tilespmem:s25+$0x40] =	vst v9;
	v58 =	vld [tilespmem:s31+$0xFFFFFFD0]  }
0x90: {  	[tilespmem:s25+$0xC0] =	vst v1;
	v1 =	vld [tilespmem:s31+$0x50]  }
0x91: {  	[tilespmem:s25+$0x140] =	vst v2;
	v2 =	vld [tilespmem:s31+$0xD0]  }
0x92: {  	v59 =	vld [tilespmem:s31+$0x150];
	[tilespmem:s25+$0x1C0] =	vst v4  }
0x93: {  	v4 =	vld [tilespmem:s31+$0x1D0]  }
0x94: {  	v0 =	vld.idx.msk [tilespmem:v0+s3+$0x0], $0xffff  }
0x95: {  	v7 =	vld.idx.msk [tilespmem:v7+s3+$0x0], $0xffff  }
0x96: {  	v3 =	vld.idx.msk [tilespmem:v3+s3+$0x0], $0xffff  }
0x97: {  	v5 =	vld.idx.msk [tilespmem:v5+s3+$0x0], $0xffff  }
0x98: {  	v6 =	vld.idx.msk [tilespmem:v6+s3+$0x0], $0xffff  }
0x99: {  	v8 =	vld.idx.msk [tilespmem:v58+s3+$0x0], $0xffff  }
0x9a: {  	v1 =	vld.idx.msk [tilespmem:v1+s3+$0x0], $0xffff  }
0x9b: {  	v2 =	vld.idx.msk [tilespmem:v2+s3+$0x0], $0xffff  }
0x9c: {  	v9 =	vld.idx.msk [tilespmem:v59+s3+$0x0], $0xffff  }
0x9d: {  	[tilespmem:s25+$0x250] =	vst v0;
	v4 =	vld.idx.msk [tilespmem:v4+s3+$0x0], $0xffff  }
0x9e: {  	[tilespmem:s25+$0xFFFFFDD0] =	vst v7;
	v0 =	vld [tilespmem:s31+$0x260]  }
0x9f: {  	[tilespmem:s25+$0xFFFFFE50] =	vst v3;
	v3 =	vld [tilespmem:s31+$0xFFFFFDE0]  }
0xa0: {  	[tilespmem:s25+$0xFFFFFED0] =	vst v5;
	v5 =	vld [tilespmem:s31+$0xFFFFFE60]  }
0xa1: {  	[tilespmem:s25+$0xFFFFFF50] =	vst v6;
	v6 =	vld [tilespmem:s31+$0xFFFFFEE0]  }
0xa2: {  	[tilespmem:s25+$0xFFFFFFD0] =	vst v8;
	v7 =	vld [tilespmem:s31+$0xFFFFFF60]  }
0xa3: {  	[tilespmem:s25+$0x50] =	vst v1;
	v1 =	vld [tilespmem:s31+$0xFFFFFFE0]  }
0xa4: {  	[tilespmem:s25+$0xD0] =	vst v2;
	v2 =	vld [tilespmem:s31+$0x60]  }
0xa5: {  	[tilespmem:s25+$0x150] =	vst v9;
	v60 =	vld [tilespmem:s31+$0xE0]  }
0xa6: {  	[tilespmem:s25+$0x1D0] =	vst v4;
	v4 =	vld [tilespmem:s31+$0x160]  }
0xa7: {  	v61 =	vld [tilespmem:s31+$0x1E0]  }
0xa8: {  	v0 =	vld.idx.msk [tilespmem:v0+s3+$0x0], $0xffff  }
0xa9: {  	v3 =	vld.idx.msk [tilespmem:v3+s3+$0x0], $0xffff  }
0xaa: {  	v5 =	vld.idx.msk [tilespmem:v5+s3+$0x0], $0xffff  }
0xab: {  	v6 =	vld.idx.msk [tilespmem:v6+s3+$0x0], $0xffff  }
0xac: {  	v7 =	vld.idx.msk [tilespmem:v7+s3+$0x0], $0xffff  }
0xad: {  	v1 =	vld.idx.msk [tilespmem:v1+s3+$0x0], $0xffff  }
0xae: {  	v2 =	vld.idx.msk [tilespmem:v2+s3+$0x0], $0xffff  }
0xaf: {  	v8 =	vld.idx.msk [tilespmem:v60+s3+$0x0], $0xffff  }
0xb0: {  	v4 =	vld.idx.msk [tilespmem:v4+s3+$0x0], $0xffff;
	[tilespmem:s25+$0x260] =	vst v0  }
0xb1: {  	[tilespmem:s25+$0xFFFFFDE0] =	vst v3;
	v3 =	vld.idx.msk [tilespmem:v61+s3+$0x0], $0xffff  }
0xb2: {  	v0 =	vld [tilespmem:s31+$0x270]  }
0xb3: {  	[tilespmem:s25+$0xFFFFFE60] =	vst v5;
	v5 =	vld [tilespmem:s31+$0xFFFFFDF0]  }
0xb4: {  	[tilespmem:s25+$0xFFFFFEE0] =	vst v6;
	v6 =	vld [tilespmem:s31+$0xFFFFFE70]  }
0xb5: {  	[tilespmem:s25+$0xFFFFFF60] =	vst v7;
	v7 =	vld [tilespmem:s31+$0xFFFFFEF0]  }
0xb6: {  	[tilespmem:s25+$0xFFFFFFE0] =	vst v1;
	v1 =	vld [tilespmem:s31+$0xFFFFFF70]  }
0xb7: {  	[tilespmem:s25+$0x60] =	vst v2;
	v2 =	vld [tilespmem:s31+$0xFFFFFFF0]  }
0xb8: {  	[tilespmem:s25+$0xE0] =	vst v8;
	v62 =	vld [tilespmem:s31+$0x70]  }
0xb9: {  	[tilespmem:s25+$0x160] =	vst v4;
	v4 =	vld [tilespmem:s31+$0xF0]  }
0xba: {  	[tilespmem:s25+$0x1E0] =	vst v3;
	v63 =	vld [tilespmem:s31+$0x170]  }
0xbb: {  	v10 =	vld [tilespmem:s31+$0x1F0]  }
0xbc: {  	v0 =	vld.idx.msk [tilespmem:v0+s3+$0x0], $0xffff  }
0xbd: {  	v11 =	vld.idx.msk [tilespmem:v5+s3+$0x0], $0xffff  }
0xbe: {  	v6 =	vld.idx.msk [tilespmem:v6+s3+$0x0], $0xffff  }
0xbf: {  	v7 =	vld.idx.msk [tilespmem:v7+s3+$0x0], $0xffff  }
0xc0: {  	v5 =	vld.idx.msk [tilespmem:v1+s3+$0x0], $0xffff  }
0xc1: {  	v3 =	vld.idx.msk [tilespmem:v2+s3+$0x0], $0xffff  }
0xc2: {  	v1 =	vld.idx.msk [tilespmem:v4+s3+$0x0], $0xffff;
	[tilespmem:s25+$0x270] =	vst v0  }
0xc3: {  	v0 =	vld.idx.msk [tilespmem:v62+s3+$0x0], $0xffff;
	[tilespmem:s25+$0xFFFFFDF0] =	vst v11  }
0xc4: {  	v2 =	vld.idx.msk [tilespmem:v63+s3+$0x0], $0xffff;
	[tilespmem:s25+$0xFFFFFE70] =	vst v6  }
0xc5: {  	s24 =	simm.s32 $0x0;
	s26 =	simm.s32 $0x18E20;
	s23 =	sshll.u32 s22, $0x1;
	[tilespmem:s25+$0xFFFFFEF0] =	vst v7;
	v4 =	vld.idx.msk [tilespmem:v10+s3+$0x0], $0xffff  }
.LBB2_3:
0xc6: {  	v6 =	vld [tilespmem:s26+$0x200];
	s24 =	sadd.s32 $0xA, s24;
	[tilespmem:s25+$0xFFFFFF70] =	vst v5  }
0xc7: {  	v5 =	vld [tilespmem:s26+$0xFFFFFE00];
	p1 =	slt.u32 s24, $0x28;
	[tilespmem:s25+$0xFFFFFFF0] =	vst v3  }
0xc8: {  	v3 =	vld [tilespmem:s26+$0xFFFFFE80];
	[tilespmem:s25+$0x70] =	vst v0  }
0xc9: {  	v0 =	vld [tilespmem:s26+$0xFFFFFF00];
	[tilespmem:s25+$0xF0] =	vst v1  }
0xca: {  	v1 =	vld [tilespmem:s26+$0xFFFFFF80];
	[tilespmem:s25+$0x170] =	vst v2  }
0xcb: {  	v2 =	vld [tilespmem:s26+$0x0];
	[tilespmem:s25+$0x1F0] =	vst v4  }
0xcc: {  	v4 =	vld [tilespmem:s26+$0x80]  }
0xcd: {  	v7 =	vld [tilespmem:s26+$0x100]  }
0xce: {  	v6 =	vld.idx.msk [tilespmem:v6+s3+$0x0], $0xffff  }
0xcf: {  	v8 =	vld [tilespmem:s26+$0x180]  }
0xd0: {  	v9 =	vld [tilespmem:s26+$0xFFFFFD80]  }
0xd1: {  	v5 =	vld.idx.msk [tilespmem:v5+s3+$0x0], $0xffff  }
0xd2: {  	v3 =	vld.idx.msk [tilespmem:v3+s3+$0x0], $0xffff  }
0xd3: {  	s25 =	sadd.s32 $0x500, s25;
	v0 =	vld.idx.msk [tilespmem:v0+s3+$0x0], $0xffff  }
0xd4: {  	v1 =	vld.idx.msk [tilespmem:v1+s3+$0x0], $0xffff;
	[tilespmem:s25+$0x200] =	vst v6  }
0xd5: {  	v6 =	vld [tilespmem:s26+$0x210]  }
0xd6: {  	v2 =	vld.idx.msk [tilespmem:v2+s3+$0x0], $0xffff  }
0xd7: {  	[tilespmem:s25+$0xFFFFFE00] =	vst v5;
	v4 =	vld.idx.msk [tilespmem:v4+s3+$0x0], $0xffff  }
0xd8: {  	v5 =	vld.idx.msk [tilespmem:v9+s3+$0x0], $0xffff;
	[tilespmem:s25+$0xFFFFFE80] =	vst v3  }
0xd9: {  	[tilespmem:s25+$0xFFFFFF00] =	vst v0;
	v0 =	vld.idx.msk [tilespmem:v7+s3+$0x0], $0xffff  }
0xda: {  	[tilespmem:s25+$0xFFFFFF80] =	vst v1;
	v1 =	vld.idx.msk [tilespmem:v8+s3+$0x0], $0xffff  }
0xdb: {  	v3 =	vld [tilespmem:s26+$0xFFFFFE10]  }
0xdc: {  	v7 =	vld [tilespmem:s26+$0xFFFFFE90];
	[tilespmem:s25+$0x0] =	vst v2  }
0xdd: {  	[tilespmem:s25+$0x80] =	vst v4;
	v2 =	vld.idx.msk [tilespmem:v6+s3+$0x0], $0xffff  }
0xde: {  	[tilespmem:s25+$0xFFFFFD80] =	vst v5;
	v4 =	vld [tilespmem:s26+$0xFFFFFF10]  }
0xdf: {  	v5 =	vld [tilespmem:s26+$0xFFFFFD90];
	[tilespmem:s25+$0x100] =	vst v0  }
0xe0: {  	v0 =	vld [tilespmem:s26+$0xFFFFFF90];
	[tilespmem:s25+$0x180] =	vst v1  }
0xe1: {  	v1 =	vld [tilespmem:s26+$0x10]  }
0xe2: {  	v6 =	vld [tilespmem:s26+$0x90]  }
0xe3: {  	v8 =	vld [tilespmem:s26+$0x110];
	[tilespmem:s25+$0x210] =	vst v2  }
0xe4: {  	v2 =	vld [tilespmem:s26+$0x220]  }
0xe5: {  	v9 =	vld [tilespmem:s26+$0x190]  }
0xe6: {  	v3 =	vld.idx.msk [tilespmem:v3+s3+$0x0], $0xffff  }
0xe7: {  	v5 =	vld.idx.msk [tilespmem:v5+s3+$0x0], $0xffff  }
0xe8: {  	v7 =	vld.idx.msk [tilespmem:v7+s3+$0x0], $0xffff  }
0xe9: {  	v4 =	vld.idx.msk [tilespmem:v4+s3+$0x0], $0xffff  }
0xea: {  	v0 =	vld.idx.msk [tilespmem:v0+s3+$0x0], $0xffff  }
0xeb: {  	v1 =	vld.idx.msk [tilespmem:v1+s3+$0x0], $0xffff  }
0xec: {  	[tilespmem:s25+$0xFFFFFE10] =	vst v3;
	v2 =	vld.idx.msk [tilespmem:v2+s3+$0x0], $0xffff  }
0xed: {  	[tilespmem:s25+$0xFFFFFD90] =	vst v5;
	v3 =	vld.idx.msk [tilespmem:v6+s3+$0x0], $0xffff  }
0xee: {  	[tilespmem:s25+$0xFFFFFE90] =	vst v7;
	v5 =	vld.idx.msk [tilespmem:v8+s3+$0x0], $0xffff  }
0xef: {  	[tilespmem:s25+$0xFFFFFF10] =	vst v4;
	v4 =	vld.idx.msk [tilespmem:v9+s3+$0x0], $0xffff  }
0xf0: {  	v6 =	vld [tilespmem:s26+$0xFFFFFDA0];
	[tilespmem:s25+$0xFFFFFF90] =	vst v0  }
0xf1: {  	v0 =	vld [tilespmem:s26+$0xFFFFFE20];
	[tilespmem:s25+$0x10] =	vst v1  }
0xf2: {  	v1 =	vld [tilespmem:s26+$0xFFFFFEA0];
	[tilespmem:s25+$0x220] =	vst v2  }
0xf3: {  	[tilespmem:s25+$0x90] =	vst v3;
	v2 =	vld [tilespmem:s26+$0x230]  }
0xf4: {  	v3 =	vld [tilespmem:s26+$0xFFFFFF20];
	[tilespmem:s25+$0x110] =	vst v5  }
0xf5: {  	v5 =	vld [tilespmem:s26+$0xFFFFFFA0];
	[tilespmem:s25+$0x190] =	vst v4  }
0xf6: {  	v4 =	vld [tilespmem:s26+$0x20]  }
0xf7: {  	v7 =	vld [tilespmem:s26+$0xA0]  }
0xf8: {  	v8 =	vld [tilespmem:s26+$0x120]  }
0xf9: {  	v9 =	vld [tilespmem:s26+$0x1A0]  }
0xfa: {  	v6 =	vld.idx.msk [tilespmem:v6+s3+$0x0], $0xffff  }
0xfb: {  	v2 =	vld.idx.msk [tilespmem:v2+s3+$0x0], $0xffff  }
0xfc: {  	v0 =	vld.idx.msk [tilespmem:v0+s3+$0x0], $0xffff  }
0xfd: {  	v1 =	vld.idx.msk [tilespmem:v1+s3+$0x0], $0xffff  }
0xfe: {  	v3 =	vld.idx.msk [tilespmem:v3+s3+$0x0], $0xffff  }
0xff: {  	v5 =	vld.idx.msk [tilespmem:v5+s3+$0x0], $0xffff  }
0x100: {  	[tilespmem:s25+$0xFFFFFDA0] =	vst v6;
	v4 =	vld.idx.msk [tilespmem:v4+s3+$0x0], $0xffff  }
0x101: {  	v6 =	vld.idx.msk [tilespmem:v7+s3+$0x0], $0xffff;
	[tilespmem:s25+$0x230] =	vst v2  }
0x102: {  	[tilespmem:s25+$0xFFFFFE20] =	vst v0;
	v0 =	vld [tilespmem:s26+$0x240]  }
0x103: {  	[tilespmem:s25+$0xFFFFFEA0] =	vst v1;
	v1 =	vld.idx.msk [tilespmem:v8+s3+$0x0], $0xffff  }
0x104: {  	[tilespmem:s25+$0xFFFFFF20] =	vst v3;
	v2 =	vld.idx.msk [tilespmem:v9+s3+$0x0], $0xffff  }
0x105: {  	v3 =	vld [tilespmem:s26+$0xFFFFFDB0];
	[tilespmem:s25+$0xFFFFFFA0] =	vst v5  }
0x106: {  	v5 =	vld [tilespmem:s26+$0xFFFFFE30];
	[tilespmem:s25+$0x20] =	vst v4  }
0x107: {  	v4 =	vld [tilespmem:s26+$0xFFFFFEB0];
	[tilespmem:s25+$0xA0] =	vst v6  }
0x108: {  	v6 =	vld [tilespmem:s26+$0xFFFFFF30]  }
0x109: {  	v7 =	vld [tilespmem:s26+$0xFFFFFFB0];
	[tilespmem:s25+$0x120] =	vst v1  }
0x10a: {  	[tilespmem:s25+$0x1A0] =	vst v2;
	v0 =	vld.idx.msk [tilespmem:v0+s3+$0x0], $0xffff  }
0x10b: {  	v1 =	vld [tilespmem:s26+$0x30]  }
0x10c: {  	v2 =	vld [tilespmem:s26+$0xB0]  }
0x10d: {  	v8 =	vld [tilespmem:s26+$0x130]  }
0x10e: {  	v9 =	vld [tilespmem:s26+$0x1B0]  }
0x10f: {  	v3 =	vld.idx.msk [tilespmem:v3+s3+$0x0], $0xffff  }
0x110: {  	v5 =	vld.idx.msk [tilespmem:v5+s3+$0x0], $0xffff;
	[tilespmem:s25+$0x240] =	vst v0  }
0x111: {  	v0 =	vld [tilespmem:s26+$0x250]  }
0x112: {  	v4 =	vld.idx.msk [tilespmem:v4+s3+$0x0], $0xffff  }
0x113: {  	v6 =	vld.idx.msk [tilespmem:v6+s3+$0x0], $0xffff  }
0x114: {  	v7 =	vld.idx.msk [tilespmem:v7+s3+$0x0], $0xffff  }
0x115: {  	[tilespmem:s25+$0xFFFFFDB0] =	vst v3;
	v1 =	vld.idx.msk [tilespmem:v1+s3+$0x0], $0xffff  }
0x116: {  	[tilespmem:s25+$0xFFFFFE30] =	vst v5;
	v2 =	vld.idx.msk [tilespmem:v2+s3+$0x0], $0xffff  }
0x117: {  	v3 =	vld.idx.msk [tilespmem:v8+s3+$0x0], $0xffff  }
0x118: {  	[tilespmem:s25+$0xFFFFFEB0] =	vst v4;
	v4 =	vld.idx.msk [tilespmem:v9+s3+$0x0], $0xffff  }
0x119: {  	[tilespmem:s25+$0xFFFFFF30] =	vst v6;
	v0 =	vld.idx.msk [tilespmem:v0+s3+$0x0], $0xffff  }
0x11a: {  	v5 =	vld [tilespmem:s26+$0xFFFFFDC0];
	[tilespmem:s25+$0xFFFFFFB0] =	vst v7  }
0x11b: {  	v6 =	vld [tilespmem:s26+$0xFFFFFE40];
	[tilespmem:s25+$0x30] =	vst v1  }
0x11c: {  	v1 =	vld [tilespmem:s26+$0xFFFFFEC0];
	[tilespmem:s25+$0xB0] =	vst v2  }
0x11d: {  	v2 =	vld [tilespmem:s26+$0xFFFFFF40];
	[tilespmem:s25+$0x130] =	vst v3  }
0x11e: {  	v3 =	vld [tilespmem:s26+$0xFFFFFFC0];
	[tilespmem:s25+$0x1B0] =	vst v4  }
0x11f: {  	v4 =	vld [tilespmem:s26+$0x40];
	[tilespmem:s25+$0x250] =	vst v0  }
0x120: {  	v0 =	vld [tilespmem:s26+$0x260]  }
0x121: {  	v7 =	vld [tilespmem:s26+$0xC0]  }
0x122: {  	v8 =	vld [tilespmem:s26+$0x140]  }
0x123: {  	v9 =	vld [tilespmem:s26+$0x1C0]  }
0x124: {  	v5 =	vld.idx.msk [tilespmem:v5+s3+$0x0], $0xffff  }
0x125: {  	v6 =	vld.idx.msk [tilespmem:v6+s3+$0x0], $0xffff  }
0x126: {  	v1 =	vld.idx.msk [tilespmem:v1+s3+$0x0], $0xffff  }
0x127: {  	v2 =	vld.idx.msk [tilespmem:v2+s3+$0x0], $0xffff  }
0x128: {  	v0 =	vld.idx.msk [tilespmem:v0+s3+$0x0], $0xffff  }
0x129: {  	v3 =	vld.idx.msk [tilespmem:v3+s3+$0x0], $0xffff  }
0x12a: {  	[tilespmem:s25+$0xFFFFFDC0] =	vst v5;
	v4 =	vld.idx.msk [tilespmem:v4+s3+$0x0], $0xffff  }
0x12b: {  	[tilespmem:s25+$0xFFFFFE40] =	vst v6;
	v5 =	vld.idx.msk [tilespmem:v7+s3+$0x0], $0xffff  }
0x12c: {  	[tilespmem:s25+$0xFFFFFEC0] =	vst v1;
	v1 =	vld.idx.msk [tilespmem:v8+s3+$0x0], $0xffff  }
0x12d: {  	[tilespmem:s25+$0xFFFFFF40] =	vst v2;
	v2 =	vld.idx.msk [tilespmem:v9+s3+$0x0], $0xffff  }
0x12e: {  	v6 =	vld [tilespmem:s26+$0xFFFFFDD0];
	[tilespmem:s25+$0x260] =	vst v0  }
0x12f: {  	[tilespmem:s25+$0xFFFFFFC0] =	vst v3;
	v0 =	vld [tilespmem:s26+$0x270]  }
0x130: {  	v3 =	vld [tilespmem:s26+$0xFFFFFE50];
	[tilespmem:s25+$0x40] =	vst v4  }
0x131: {  	v4 =	vld [tilespmem:s26+$0xFFFFFED0];
	[tilespmem:s25+$0xC0] =	vst v5  }
0x132: {  	v5 =	vld [tilespmem:s26+$0xFFFFFF50];
	[tilespmem:s25+$0x140] =	vst v1  }
0x133: {  	v1 =	vld [tilespmem:s26+$0xFFFFFFD0];
	[tilespmem:s25+$0x1C0] =	vst v2  }
0x134: {  	v2 =	vld [tilespmem:s26+$0x50]  }
0x135: {  	v7 =	vld [tilespmem:s26+$0xD0]  }
0x136: {  	v8 =	vld [tilespmem:s26+$0x150]  }
0x137: {  	v0 =	vld.idx.msk [tilespmem:v0+s3+$0x0], $0xffff  }
0x138: {  	v9 =	vld [tilespmem:s26+$0x1D0]  }
0x139: {  	v6 =	vld.idx.msk [tilespmem:v6+s3+$0x0], $0xffff  }
0x13a: {  	v3 =	vld.idx.msk [tilespmem:v3+s3+$0x0], $0xffff  }
0x13b: {  	v4 =	vld.idx.msk [tilespmem:v4+s3+$0x0], $0xffff  }
0x13c: {  	v5 =	vld.idx.msk [tilespmem:v5+s3+$0x0], $0xffff  }
0x13d: {  	v1 =	vld.idx.msk [tilespmem:v1+s3+$0x0], $0xffff;
	[tilespmem:s25+$0x270] =	vst v0  }
0x13e: {  	v0 =	vld.idx.msk [tilespmem:v2+s3+$0x0], $0xffff  }
0x13f: {  	[tilespmem:s25+$0xFFFFFDD0] =	vst v6;
	v2 =	vld.idx.msk [tilespmem:v7+s3+$0x0], $0xffff  }
0x140: {  	[tilespmem:s25+$0xFFFFFE50] =	vst v3;
	v3 =	vld.idx.msk [tilespmem:v8+s3+$0x0], $0xffff  }
0x141: {  	[tilespmem:s25+$0xFFFFFED0] =	vst v4;
	v4 =	vld.idx.msk [tilespmem:v9+s3+$0x0], $0xffff  }
0x142: {  	v6 =	vld [tilespmem:s26+$0xFFFFFDE0];
	[tilespmem:s25+$0xFFFFFF50] =	vst v5  }
0x143: {  	v5 =	vld [tilespmem:s26+$0xFFFFFE60];
	[tilespmem:s25+$0xFFFFFFD0] =	vst v1  }
0x144: {  	v1 =	vld [tilespmem:s26+$0xFFFFFEE0];
	[tilespmem:s25+$0x50] =	vst v0  }
0x145: {  	v0 =	vld [tilespmem:s26+$0xFFFFFF60];
	[tilespmem:s25+$0xD0] =	vst v2  }
0x146: {  	v2 =	vld [tilespmem:s26+$0xFFFFFFE0];
	[tilespmem:s25+$0x150] =	vst v3  }
0x147: {  	v3 =	vld [tilespmem:s26+$0x60];
	[tilespmem:s25+$0x1D0] =	vst v4  }
0x148: {  	v4 =	vld [tilespmem:s26+$0xE0]  }
0x149: {  	v7 =	vld [tilespmem:s26+$0x160]  }
0x14a: {  	v8 =	vld [tilespmem:s26+$0x1E0]  }
0x14b: {  	v6 =	vld.idx.msk [tilespmem:v6+s3+$0x0], $0xffff  }
0x14c: {  	v5 =	vld.idx.msk [tilespmem:v5+s3+$0x0], $0xffff  }
0x14d: {  	v1 =	vld.idx.msk [tilespmem:v1+s3+$0x0], $0xffff  }
0x14e: {  	v0 =	vld.idx.msk [tilespmem:v0+s3+$0x0], $0xffff  }
0x14f: {  	v2 =	vld.idx.msk [tilespmem:v2+s3+$0x0], $0xffff  }
0x150: {  	v3 =	vld.idx.msk [tilespmem:v3+s3+$0x0], $0xffff  }
0x151: {  	[tilespmem:s25+$0xFFFFFDE0] =	vst v6;
	v4 =	vld.idx.msk [tilespmem:v4+s3+$0x0], $0xffff  }
0x152: {  	[tilespmem:s25+$0xFFFFFE60] =	vst v5;
	v5 =	vld.idx.msk [tilespmem:v7+s3+$0x0], $0xffff  }
0x153: {  	[tilespmem:s25+$0xFFFFFEE0] =	vst v1;
	v1 =	vld.idx.msk [tilespmem:v8+s3+$0x0], $0xffff  }
0x154: {  	v6 =	vld [tilespmem:s26+$0xFFFFFDF0];
	[tilespmem:s25+$0xFFFFFF60] =	vst v0  }
0x155: {  	v0 =	vld [tilespmem:s26+$0xFFFFFE70];
	[tilespmem:s25+$0xFFFFFFE0] =	vst v2  }
0x156: {  	v2 =	vld [tilespmem:s26+$0xFFFFFEF0];
	[tilespmem:s25+$0x60] =	vst v3  }
0x157: {  	v3 =	vld [tilespmem:s26+$0xFFFFFF70];
	[tilespmem:s25+$0xE0] =	vst v4  }
0x158: {  	v4 =	vld [tilespmem:s26+$0xFFFFFFF0];
	[tilespmem:s25+$0x160] =	vst v5  }
0x159: {  	v7 =	vld [tilespmem:s26+$0x70];
	[tilespmem:s25+$0x1E0] =	vst v1  }
0x15a: {  	v1 =	vld [tilespmem:s26+$0xF0]  }
0x15b: {  	v8 =	vld [tilespmem:s26+$0x170]  }
0x15c: {  	v9 =	vld [tilespmem:s26+$0x1F0]  }
0x15d: {  	v6 =	vld.idx.msk [tilespmem:v6+s3+$0x0], $0xffff  }
0x15e: {  	v10 =	vld.idx.msk [tilespmem:v0+s3+$0x0], $0xffff  }
0x15f: {  	v11 =	vld.idx.msk [tilespmem:v2+s3+$0x0], $0xffff  }
0x160: {  	v5 =	vld.idx.msk [tilespmem:v3+s3+$0x0], $0xffff  }
.Ltmp2:
0x161: {  	v3 =	vld.idx.msk [tilespmem:v4+s3+$0x0], $0xffff;
	(pc) =	sbr.rel @p1 .LBB2_3-.Ltmp2, $4  }
0x162: {  	v0 =	vld.idx.msk [tilespmem:v7+s3+$0x0], $0xffff  }
0x163: {  	[tilespmem:s25+$0xFFFFFDF0] =	vst v6;
	v1 =	vld.idx.msk [tilespmem:v1+s3+$0x0], $0xffff  }
0x164: {  	[tilespmem:s25+$0xFFFFFE70] =	vst v10;
	v2 =	vld.idx.msk [tilespmem:v8+s3+$0x0], $0xffff  }
0x165: {  	s26 =	sadd.s32 $0x500, s26;
	[tilespmem:s25+$0xFFFFFEF0] =	vst v11;
	v4 =	vld.idx.msk [tilespmem:v9+s3+$0x0], $0xffff  }
0x166: {  	s24 =	smulhi.u32 $0x10624DD3, s23;
	_ =	sdelay $0x1  }
0x167: {  	s26 =	smulhi.u32 $0x10624DD3, s22;
	s24 =	sshrl.u32 s24, $0x4  }
0x168: {  	s24 =	smul.u32 $0xFA, s24  }
0x169: {  	s26 =	sshrl.u32 s26, $0x3  }
0x16a: {  	s26 =	smul.u32 $0x30D4000, s26;
	s24 =	ssub.s32 s23, s24  }
0x16b: {  	[tilespmem:s25+$0xFFFFFF70] =	vst v5;
	s28 =	smul.u32 $0xC800, s24  }
0x16c: {  	[tilespmem:s25+$0xFFFFFFF0] =	vst v3;
	s24 =	sadd.s32 s8, s26  }
0x16d: {  	[tilespmem:s25+$0x70] =	vst v0;
	s26 =	sadd.s32 s28, s24  }
0x16e: {  	[tilespmem:s25+$0xF0] =	vst v1;
	s26 =	sor.u32 s9, s26  }
0x16f: {  	p1 =	seq.s32 s22, $0xF9;
	[tilespmem:s25+$0x170] =	vst v2;
	s26 =	sshrl.u32 s26, $0x3  }
0x170: {  	[tilespmem:s25+$0x1F0] =	vst v4;
	s30 =	sadd.s32 s1, s26;
	s26 =	smul.u32 @!p1 $0x3200, s22  }
0x171: {  	[hbm4b:s30+s14] =	stream.strided.scatter [tilespmem:s16], [sflag:$0x3], $0x1900, s15, s14, $0x38;
	[tilespmem:$0x1EAA0] =	vst v63  }
0x172: {  	s25 =	sshrl.u32 @!p1 s26, $0x3  }
0x173: {  	s25 =	sadd.s32 @!p1 s4, s25  }
0x174: {  	s28 =	simm.s32 @!p1 $0x186A0;
	s26 =	simm.s32 @!p1 $0x0;
	s25 =	sadd.s32 @!p1 $0x640, s25  }
0x175: {  	[tilespmem:s28], [sflag:$0x1] =	stream.linear.gather @!p1 [hbm4b:s25+s26], $0x1900, $0x38;
	[tilespmem:$0x1EAA0] =	vst v63  }
0x176: {  	_ =	swait.ge [sflag:s17], $0x1900  }
0x177: {  	[sflag:s17] =	ssyncset.done $0x0  }
0x178: {  	s25 =	simm.s32 @!p0 $0x4;
	[sflag:s17] =	ssyncadd.s32 $0xFFFFE700  }
0x179: {  	_ =	swait.ge @!p0 [sflag:s25], $0x1900  }
0x17a: {  	[sflag:s25] =	ssyncset.done @!p0 $0x0  }
0x17b: {  	s31 =	simm.s32 $0x1A220;
	[sflag:s25] =	ssyncadd.s32 @!p0 $0xFFFFE700  }
0x17c: {  	v0 =	vld [tilespmem:s31+$0x200]  }
0x17d: {  	v1 =	vld [tilespmem:s31+$0xFFFFFE00]  }
0x17e: {  	v2 =	vld [tilespmem:s31+$0xFFFFFE80]  }
0x17f: {  	v3 =	vld [tilespmem:s31+$0xFFFFFF00]  }
0x180: {  	v4 =	vld [tilespmem:s31+$0xFFFFFF80]  }
0x181: {  	v5 =	vld [tilespmem:s31+$0x0]  }
0x182: {  	v6 =	vld [tilespmem:s31+$0x80]  }
0x183: {  	v7 =	vld [tilespmem:s31+$0x100]  }
0x184: {  	v8 =	vld [tilespmem:s31+$0x180]  }
0x185: {  	v9 =	vld [tilespmem:s31+$0xFFFFFD80]  }
0x186: {  	v0 =	vld.idx.msk [tilespmem:v0+s3+$0x0], $0xffff  }
0x187: {  	v1 =	vld.idx.msk [tilespmem:v1+s3+$0x0], $0xffff  }
0x188: {  	v2 =	vld.idx.msk [tilespmem:v2+s3+$0x0], $0xffff  }
0x189: {  	v3 =	vld.idx.msk [tilespmem:v3+s3+$0x0], $0xffff  }
0x18a: {  	v4 =	vld.idx.msk [tilespmem:v4+s3+$0x0], $0xffff  }
0x18b: {  	v5 =	vld.idx.msk [tilespmem:v5+s3+$0x0], $0xffff  }
0x18c: {  	v6 =	vld.idx.msk [tilespmem:v6+s3+$0x0], $0xffff  }
0x18d: {  	s25 =	simm.s32 $0x1D420;
	v9 =	vld.idx.msk [tilespmem:v9+s3+$0x0], $0xffff  }
0x18e: {  	v7 =	vld.idx.msk [tilespmem:v7+s3+$0x0], $0xffff;
	[tilespmem:s25+$0x200] =	vst v0  }
0x18f: {  	[tilespmem:s25+$0xFFFFFE00] =	vst v1;
	v1 =	vld.idx.msk [tilespmem:v8+s3+$0x0], $0xffff  }
0x190: {  	v0 =	vld [tilespmem:s31+$0x210]  }
0x191: {  	[tilespmem:s25+$0xFFFFFE80] =	vst v2;
	v2 =	vld [tilespmem:s31+$0xFFFFFE10]  }
0x192: {  	[tilespmem:s25+$0xFFFFFF00] =	vst v3;
	v51 =	vld [tilespmem:s31+$0xFFFFFE90]  }
0x193: {  	[tilespmem:s25+$0xFFFFFD80] =	vst v9;
	v3 =	vld [tilespmem:s31+$0xFFFFFF10]  }
0x194: {  	[tilespmem:s25+$0xFFFFFF80] =	vst v4;
	v4 =	vld [tilespmem:s31+$0xFFFFFD90]  }
0x195: {  	[tilespmem:s25+$0x0] =	vst v5;
	v5 =	vld [tilespmem:s31+$0xFFFFFF90]  }
0x196: {  	[tilespmem:s25+$0x80] =	vst v6;
	v6 =	vld [tilespmem:s31+$0x10]  }
0x197: {  	[tilespmem:s25+$0x100] =	vst v7;
	v7 =	vld [tilespmem:s31+$0x90]  }
0x198: {  	v52 =	vld [tilespmem:s31+$0x110];
	[tilespmem:s25+$0x180] =	vst v1  }
0x199: {  	v1 =	vld [tilespmem:s31+$0x190]  }
0x19a: {  	v0 =	vld.idx.msk [tilespmem:v0+s3+$0x0], $0xffff  }
0x19b: {  	v2 =	vld.idx.msk [tilespmem:v2+s3+$0x0], $0xffff  }
0x19c: {  	v4 =	vld.idx.msk [tilespmem:v4+s3+$0x0], $0xffff  }
0x19d: {  	v8 =	vld.idx.msk [tilespmem:v51+s3+$0x0], $0xffff  }
0x19e: {  	v3 =	vld.idx.msk [tilespmem:v3+s3+$0x0], $0xffff  }
0x19f: {  	v5 =	vld.idx.msk [tilespmem:v5+s3+$0x0], $0xffff  }
0x1a0: {  	v6 =	vld.idx.msk [tilespmem:v6+s3+$0x0], $0xffff  }
0x1a1: {  	v7 =	vld.idx.msk [tilespmem:v7+s3+$0x0], $0xffff  }
0x1a2: {  	v9 =	vld.idx.msk [tilespmem:v52+s3+$0x0], $0xffff  }
0x1a3: {  	[tilespmem:s25+$0x210] =	vst v0;
	v1 =	vld.idx.msk [tilespmem:v1+s3+$0x0], $0xffff  }
0x1a4: {  	[tilespmem:s25+$0xFFFFFD90] =	vst v4;
	v0 =	vld [tilespmem:s31+$0x220]  }
0x1a5: {  	[tilespmem:s25+$0xFFFFFE10] =	vst v2;
	v2 =	vld [tilespmem:s31+$0xFFFFFDA0]  }
0x1a6: {  	[tilespmem:s25+$0xFFFFFE90] =	vst v8;
	v4 =	vld [tilespmem:s31+$0xFFFFFE20]  }
0x1a7: {  	[tilespmem:s25+$0xFFFFFF10] =	vst v3;
	v8 =	vld [tilespmem:s31+$0xFFFFFEA0]  }
0x1a8: {  	[tilespmem:s25+$0xFFFFFF90] =	vst v5;
	v3 =	vld [tilespmem:s31+$0xFFFFFF20]  }
0x1a9: {  	[tilespmem:s25+$0x10] =	vst v6;
	v5 =	vld [tilespmem:s31+$0xFFFFFFA0]  }
0x1aa: {  	[tilespmem:s25+$0x90] =	vst v7;
	v6 =	vld [tilespmem:s31+$0x20]  }
0x1ab: {  	[tilespmem:s25+$0x110] =	vst v9;
	v7 =	vld [tilespmem:s31+$0xA0]  }
0x1ac: {  	[tilespmem:s25+$0x190] =	vst v1;
	v1 =	vld [tilespmem:s31+$0x120]  }
0x1ad: {  	v53 =	vld [tilespmem:s31+$0x1A0]  }
0x1ae: {  	v0 =	vld.idx.msk [tilespmem:v0+s3+$0x0], $0xffff  }
0x1af: {  	v2 =	vld.idx.msk [tilespmem:v2+s3+$0x0], $0xffff  }
0x1b0: {  	v4 =	vld.idx.msk [tilespmem:v4+s3+$0x0], $0xffff  }
0x1b1: {  	v8 =	vld.idx.msk [tilespmem:v8+s3+$0x0], $0xffff  }
0x1b2: {  	v3 =	vld.idx.msk [tilespmem:v3+s3+$0x0], $0xffff  }
0x1b3: {  	v5 =	vld.idx.msk [tilespmem:v5+s3+$0x0], $0xffff  }
0x1b4: {  	v6 =	vld.idx.msk [tilespmem:v6+s3+$0x0], $0xffff  }
0x1b5: {  	v7 =	vld.idx.msk [tilespmem:v7+s3+$0x0], $0xffff;
	[tilespmem:s25+$0x220] =	vst v0  }
0x1b6: {  	v0 =	vld [tilespmem:s31+$0x230]  }
0x1b7: {  	v1 =	vld.idx.msk [tilespmem:v1+s3+$0x0], $0xffff  }
0x1b8: {  	[tilespmem:s25+$0xFFFFFDA0] =	vst v2;
	v2 =	vld.idx.msk [tilespmem:v53+s3+$0x0], $0xffff  }
0x1b9: {  	[tilespmem:s25+$0xFFFFFE20] =	vst v4;
	v4 =	vld [tilespmem:s31+$0xFFFFFDB0]  }
0x1ba: {  	[tilespmem:s25+$0xFFFFFEA0] =	vst v8;
	v54 =	vld [tilespmem:s31+$0xFFFFFE30]  }
0x1bb: {  	[tilespmem:s25+$0xFFFFFF20] =	vst v3;
	v3 =	vld [tilespmem:s31+$0xFFFFFEB0]  }
0x1bc: {  	[tilespmem:s25+$0xFFFFFFA0] =	vst v5;
	v5 =	vld [tilespmem:s31+$0xFFFFFF30]  }
0x1bd: {  	v55 =	vld [tilespmem:s31+$0xFFFFFFB0]  }
0x1be: {  	[tilespmem:s25+$0x20] =	vst v6;
	v0 =	vld.idx.msk [tilespmem:v0+s3+$0x0], $0xffff  }
0x1bf: {  	[tilespmem:s25+$0xA0] =	vst v7;
	v6 =	vld [tilespmem:s31+$0x30]  }
0x1c0: {  	[tilespmem:s25+$0x120] =	vst v1;
	v1 =	vld [tilespmem:s31+$0xB0]  }
0x1c1: {  	[tilespmem:s25+$0x1A0] =	vst v2;
	v2 =	vld [tilespmem:s31+$0x130]  }
0x1c2: {  	v7 =	vld [tilespmem:s31+$0x1B0]  }
0x1c3: {  	v4 =	vld.idx.msk [tilespmem:v4+s3+$0x0], $0xffff;
	[tilespmem:s25+$0x230] =	vst v0  }
0x1c4: {  	v0 =	vld [tilespmem:s31+$0x240]  }
0x1c5: {  	v8 =	vld.idx.msk [tilespmem:v54+s3+$0x0], $0xffff  }
0x1c6: {  	v3 =	vld.idx.msk [tilespmem:v3+s3+$0x0], $0xffff  }
0x1c7: {  	v5 =	vld.idx.msk [tilespmem:v5+s3+$0x0], $0xffff  }
0x1c8: {  	v9 =	vld.idx.msk [tilespmem:v55+s3+$0x0], $0xffff  }
0x1c9: {  	v6 =	vld.idx.msk [tilespmem:v6+s3+$0x0], $0xffff  }
0x1ca: {  	v1 =	vld.idx.msk [tilespmem:v1+s3+$0x0], $0xffff  }
0x1cb: {  	v2 =	vld.idx.msk [tilespmem:v2+s3+$0x0], $0xffff  }
0x1cc: {  	v0 =	vld.idx.msk [tilespmem:v0+s3+$0x0], $0xffff  }
0x1cd: {  	v7 =	vld.idx.msk [tilespmem:v7+s3+$0x0], $0xffff;
	[tilespmem:s25+$0xFFFFFDB0] =	vst v4  }
0x1ce: {  	[tilespmem:s25+$0xFFFFFE30] =	vst v8;
	v4 =	vld [tilespmem:s31+$0xFFFFFDC0]  }
0x1cf: {  	[tilespmem:s25+$0xFFFFFEB0] =	vst v3;
	v3 =	vld [tilespmem:s31+$0xFFFFFE40]  }
0x1d0: {  	[tilespmem:s25+$0xFFFFFF30] =	vst v5;
	v5 =	vld [tilespmem:s31+$0xFFFFFEC0]  }
0x1d1: {  	v56 =	vld [tilespmem:s31+$0xFFFFFF40];
	[tilespmem:s25+$0x240] =	vst v0  }
0x1d2: {  	[tilespmem:s25+$0xFFFFFFB0] =	vst v9;
	v0 =	vld [tilespmem:s31+$0x250]  }
0x1d3: {  	[tilespmem:s25+$0x30] =	vst v6;
	v6 =	vld [tilespmem:s31+$0xFFFFFFC0]  }
0x1d4: {  	v57 =	vld [tilespmem:s31+$0x40];
	[tilespmem:s25+$0xB0] =	vst v1  }
0x1d5: {  	[tilespmem:s25+$0x130] =	vst v2;
	v1 =	vld [tilespmem:s31+$0xC0]  }
0x1d6: {  	[tilespmem:s25+$0x1B0] =	vst v7;
	v2 =	vld [tilespmem:s31+$0x140]  }
0x1d7: {  	v7 =	vld [tilespmem:s31+$0x1C0]  }
0x1d8: {  	v4 =	vld.idx.msk [tilespmem:v4+s3+$0x0], $0xffff  }
0x1d9: {  	v3 =	vld.idx.msk [tilespmem:v3+s3+$0x0], $0xffff  }
0x1da: {  	v0 =	vld.idx.msk [tilespmem:v0+s3+$0x0], $0xffff  }
0x1db: {  	v5 =	vld.idx.msk [tilespmem:v5+s3+$0x0], $0xffff  }
0x1dc: {  	v8 =	vld.idx.msk [tilespmem:v56+s3+$0x0], $0xffff  }
0x1dd: {  	v6 =	vld.idx.msk [tilespmem:v6+s3+$0x0], $0xffff  }
0x1de: {  	v9 =	vld.idx.msk [tilespmem:v57+s3+$0x0], $0xffff  }
0x1df: {  	v1 =	vld.idx.msk [tilespmem:v1+s3+$0x0], $0xffff;
	[tilespmem:s25+$0x250] =	vst v0  }
0x1e0: {  	v0 =	vld [tilespmem:s31+$0x260]  }
0x1e1: {  	v2 =	vld.idx.msk [tilespmem:v2+s3+$0x0], $0xffff  }
0x1e2: {  	[tilespmem:s25+$0xFFFFFDC0] =	vst v4;
	v4 =	vld.idx.msk [tilespmem:v7+s3+$0x0], $0xffff  }
0x1e3: {  	[tilespmem:s25+$0xFFFFFE40] =	vst v3;
	v7 =	vld [tilespmem:s31+$0xFFFFFDD0]  }
0x1e4: {  	[tilespmem:s25+$0xFFFFFEC0] =	vst v5;
	v3 =	vld [tilespmem:s31+$0xFFFFFE50]  }
0x1e5: {  	[tilespmem:s25+$0xFFFFFF40] =	vst v8;
	v5 =	vld [tilespmem:s31+$0xFFFFFED0]  }
0x1e6: {  	[tilespmem:s25+$0xFFFFFFC0] =	vst v6;
	v6 =	vld [tilespmem:s31+$0xFFFFFF50]  }
0x1e7: {  	v58 =	vld [tilespmem:s31+$0xFFFFFFD0]  }
0x1e8: {  	[tilespmem:s25+$0x40] =	vst v9;
	v0 =	vld.idx.msk [tilespmem:v0+s3+$0x0], $0xffff  }
0x1e9: {  	[tilespmem:s25+$0xC0] =	vst v1;
	v1 =	vld [tilespmem:s31+$0x50]  }
0x1ea: {  	[tilespmem:s25+$0x140] =	vst v2;
	v2 =	vld [tilespmem:s31+$0xD0]  }
0x1eb: {  	v59 =	vld [tilespmem:s31+$0x150]  }
0x1ec: {  	v7 =	vld.idx.msk [tilespmem:v7+s3+$0x0], $0xffff  }
0x1ed: {  	v3 =	vld.idx.msk [tilespmem:v3+s3+$0x0], $0xffff;
	[tilespmem:s25+$0x260] =	vst v0  }
0x1ee: {  	v0 =	vld [tilespmem:s31+$0x270]  }
0x1ef: {  	v5 =	vld.idx.msk [tilespmem:v5+s3+$0x0], $0xffff  }
0x1f0: {  	v6 =	vld.idx.msk [tilespmem:v6+s3+$0x0], $0xffff  }
0x1f1: {  	v8 =	vld.idx.msk [tilespmem:v58+s3+$0x0], $0xffff  }
0x1f2: {  	v1 =	vld.idx.msk [tilespmem:v1+s3+$0x0], $0xffff  }
0x1f3: {  	v2 =	vld.idx.msk [tilespmem:v2+s3+$0x0], $0xffff  }
0x1f4: {  	v9 =	vld.idx.msk [tilespmem:v59+s3+$0x0], $0xffff;
	[tilespmem:s25+$0xFFFFFDD0] =	vst v7  }
0x1f5: {  	[tilespmem:s25+$0xFFFFFE50] =	vst v3;
	v3 =	vld [tilespmem:s31+$0xFFFFFDE0]  }
0x1f6: {  	[tilespmem:s25+$0x1C0] =	vst v4;
	v4 =	vld.idx.msk [tilespmem:v0+s3+$0x0], $0xffff  }
0x1f7: {  	v0 =	vld [tilespmem:s31+$0x1D0]  }
0x1f8: {  	[tilespmem:s25+$0xFFFFFED0] =	vst v5;
	v5 =	vld [tilespmem:s31+$0xFFFFFE60]  }
0x1f9: {  	[tilespmem:s25+$0xFFFFFF50] =	vst v6;
	v6 =	vld [tilespmem:s31+$0xFFFFFEE0]  }
0x1fa: {  	[tilespmem:s25+$0xFFFFFFD0] =	vst v8;
	v7 =	vld [tilespmem:s31+$0xFFFFFF60]  }
0x1fb: {  	[tilespmem:s25+$0x50] =	vst v1;
	v1 =	vld [tilespmem:s31+$0xFFFFFFE0]  }
0x1fc: {  	[tilespmem:s25+$0xD0] =	vst v2;
	v2 =	vld [tilespmem:s31+$0x60]  }
0x1fd: {  	v60 =	vld [tilespmem:s31+$0xE0]  }
0x1fe: {  	v3 =	vld.idx.msk [tilespmem:v3+s3+$0x0], $0xffff  }
0x1ff: {  	v0 =	vld.idx.msk [tilespmem:v0+s3+$0x0], $0xffff  }
0x200: {  	v5 =	vld.idx.msk [tilespmem:v5+s3+$0x0], $0xffff  }
0x201: {  	v6 =	vld.idx.msk [tilespmem:v6+s3+$0x0], $0xffff  }
0x202: {  	v7 =	vld.idx.msk [tilespmem:v7+s3+$0x0], $0xffff  }
0x203: {  	[tilespmem:s25+$0x150] =	vst v9;
	v1 =	vld.idx.msk [tilespmem:v1+s3+$0x0], $0xffff  }
0x204: {  	[tilespmem:s25+$0x1D0] =	vst v0;
	v0 =	vld [tilespmem:s31+$0x160]  }
0x205: {  	v61 =	vld [tilespmem:s31+$0x1E0]  }
0x206: {  	v2 =	vld.idx.msk [tilespmem:v2+s3+$0x0], $0xffff  }
0x207: {  	v8 =	vld.idx.msk [tilespmem:v60+s3+$0x0], $0xffff;
	[tilespmem:s25+$0xFFFFFDE0] =	vst v3  }
0x208: {  	[tilespmem:s25+$0xFFFFFE60] =	vst v5;
	v5 =	vld [tilespmem:s31+$0xFFFFFDF0]  }
0x209: {  	[tilespmem:s25+$0xFFFFFEE0] =	vst v6;
	v6 =	vld [tilespmem:s31+$0xFFFFFE70]  }
0x20a: {  	[tilespmem:s25+$0xFFFFFF60] =	vst v7;
	v7 =	vld [tilespmem:s31+$0xFFFFFEF0]  }
0x20b: {  	[tilespmem:s25+$0xFFFFFFE0] =	vst v1;
	v1 =	vld [tilespmem:s31+$0xFFFFFF70]  }
0x20c: {  	v0 =	vld.idx.msk [tilespmem:v0+s3+$0x0], $0xffff  }
0x20d: {  	v3 =	vld.idx.msk [tilespmem:v61+s3+$0x0], $0xffff  }
0x20e: {  	[tilespmem:s25+$0x60] =	vst v2;
	v2 =	vld [tilespmem:s31+$0xFFFFFFF0]  }
0x20f: {  	[tilespmem:s25+$0xE0] =	vst v8;
	v62 =	vld [tilespmem:s31+$0x70]  }
0x210: {  	v63 =	vld [tilespmem:s31+$0xF0]  }
0x211: {  	v11 =	vld.idx.msk [tilespmem:v5+s3+$0x0], $0xffff;
	[tilespmem:s25+$0x160] =	vst v0  }
0x212: {  	[tilespmem:s25+$0x1E0] =	vst v3;
	v3 =	vld [tilespmem:s31+$0x170]  }
0x213: {  	v10 =	vld [tilespmem:s31+$0x1F0]  }
0x214: {  	v6 =	vld.idx.msk [tilespmem:v6+s3+$0x0], $0xffff  }
0x215: {  	v7 =	vld.idx.msk [tilespmem:v7+s3+$0x0], $0xffff  }
0x216: {  	v5 =	vld.idx.msk [tilespmem:v1+s3+$0x0], $0xffff  }
0x217: {  	v1 =	vld.idx.msk [tilespmem:v62+s3+$0x0], $0xffff  }
0x218: {  	[tilespmem:s25+$0x270] =	vst v4;
	v0 =	vld.idx.msk [tilespmem:v2+s3+$0x0], $0xffff  }
0x219: {  	[tilespmem:s25+$0xFFFFFDF0] =	vst v11;
	v2 =	vld.idx.msk [tilespmem:v63+s3+$0x0], $0xffff  }
0x21a: {  	[tilespmem:s25+$0xFFFFFE70] =	vst v6;
	v3 =	vld.idx.msk [tilespmem:v3+s3+$0x0], $0xffff  }
0x21b: {  	s23 =	sor.u32 $0x1, s23;
	s26 =	simm.s32 $0x0;
	s28 =	simm.s32 $0x1A720;
	[tilespmem:s25+$0xFFFFFEF0] =	vst v7;
	v4 =	vld.idx.msk [tilespmem:v10+s3+$0x0], $0xffff  }
.LBB2_5:
0x21c: {  	v6 =	vld [tilespmem:s28+$0x200];
	s26 =	sadd.s32 $0xA, s26;
	[tilespmem:s25+$0xFFFFFF70] =	vst v5  }
0x21d: {  	v5 =	vld [tilespmem:s28+$0xFFFFFE00];
	p0 =	slt.u32 s26, $0x28;
	[tilespmem:s25+$0xFFFFFFF0] =	vst v0  }
0x21e: {  	v0 =	vld [tilespmem:s28+$0xFFFFFE80];
	[tilespmem:s25+$0x70] =	vst v1  }
0x21f: {  	v1 =	vld [tilespmem:s28+$0xFFFFFF00];
	[tilespmem:s25+$0xF0] =	vst v2  }
0x220: {  	v2 =	vld [tilespmem:s28+$0xFFFFFF80];
	[tilespmem:s25+$0x170] =	vst v3  }
0x221: {  	v3 =	vld [tilespmem:s28+$0x0];
	[tilespmem:s25+$0x1F0] =	vst v4  }
0x222: {  	v4 =	vld [tilespmem:s28+$0x80]  }
0x223: {  	v7 =	vld [tilespmem:s28+$0x100]  }
0x224: {  	v6 =	vld.idx.msk [tilespmem:v6+s3+$0x0], $0xffff  }
0x225: {  	v8 =	vld [tilespmem:s28+$0x180]  }
0x226: {  	v9 =	vld [tilespmem:s28+$0xFFFFFD80]  }
0x227: {  	v5 =	vld.idx.msk [tilespmem:v5+s3+$0x0], $0xffff  }
0x228: {  	v0 =	vld.idx.msk [tilespmem:v0+s3+$0x0], $0xffff  }
0x229: {  	s25 =	sadd.s32 $0x500, s25;
	v1 =	vld.idx.msk [tilespmem:v1+s3+$0x0], $0xffff  }
0x22a: {  	v2 =	vld.idx.msk [tilespmem:v2+s3+$0x0], $0xffff;
	[tilespmem:s25+$0x200] =	vst v6  }
0x22b: {  	v6 =	vld [tilespmem:s28+$0x210]  }
0x22c: {  	v3 =	vld.idx.msk [tilespmem:v3+s3+$0x0], $0xffff  }
0x22d: {  	[tilespmem:s25+$0xFFFFFE00] =	vst v5;
	v4 =	vld.idx.msk [tilespmem:v4+s3+$0x0], $0xffff  }
0x22e: {  	v5 =	vld.idx.msk [tilespmem:v9+s3+$0x0], $0xffff;
	[tilespmem:s25+$0xFFFFFE80] =	vst v0  }
0x22f: {  	[tilespmem:s25+$0xFFFFFF00] =	vst v1;
	v0 =	vld.idx.msk [tilespmem:v7+s3+$0x0], $0xffff  }
0x230: {  	[tilespmem:s25+$0xFFFFFF80] =	vst v2;
	v1 =	vld.idx.msk [tilespmem:v8+s3+$0x0], $0xffff  }
0x231: {  	v2 =	vld [tilespmem:s28+$0xFFFFFE10]  }
0x232: {  	v7 =	vld [tilespmem:s28+$0xFFFFFE90];
	[tilespmem:s25+$0x0] =	vst v3  }
0x233: {  	[tilespmem:s25+$0x80] =	vst v4;
	v3 =	vld.idx.msk [tilespmem:v6+s3+$0x0], $0xffff  }
0x234: {  	[tilespmem:s25+$0xFFFFFD80] =	vst v5;
	v4 =	vld [tilespmem:s28+$0xFFFFFF10]  }
0x235: {  	v5 =	vld [tilespmem:s28+$0xFFFFFD90];
	[tilespmem:s25+$0x100] =	vst v0  }
0x236: {  	v0 =	vld [tilespmem:s28+$0xFFFFFF90];
	[tilespmem:s25+$0x180] =	vst v1  }
0x237: {  	v1 =	vld [tilespmem:s28+$0x10]  }
0x238: {  	v6 =	vld [tilespmem:s28+$0x90]  }
0x239: {  	v8 =	vld [tilespmem:s28+$0x110];
	[tilespmem:s25+$0x210] =	vst v3  }
0x23a: {  	v3 =	vld [tilespmem:s28+$0x220]  }
0x23b: {  	v9 =	vld [tilespmem:s28+$0x190]  }
0x23c: {  	v2 =	vld.idx.msk [tilespmem:v2+s3+$0x0], $0xffff  }
0x23d: {  	v5 =	vld.idx.msk [tilespmem:v5+s3+$0x0], $0xffff  }
0x23e: {  	v7 =	vld.idx.msk [tilespmem:v7+s3+$0x0], $0xffff  }
0x23f: {  	v4 =	vld.idx.msk [tilespmem:v4+s3+$0x0], $0xffff  }
0x240: {  	v0 =	vld.idx.msk [tilespmem:v0+s3+$0x0], $0xffff  }
0x241: {  	v1 =	vld.idx.msk [tilespmem:v1+s3+$0x0], $0xffff  }
0x242: {  	[tilespmem:s25+$0xFFFFFE10] =	vst v2;
	v2 =	vld.idx.msk [tilespmem:v3+s3+$0x0], $0xffff  }
0x243: {  	[tilespmem:s25+$0xFFFFFD90] =	vst v5;
	v3 =	vld.idx.msk [tilespmem:v6+s3+$0x0], $0xffff  }
0x244: {  	[tilespmem:s25+$0xFFFFFE90] =	vst v7;
	v5 =	vld.idx.msk [tilespmem:v8+s3+$0x0], $0xffff  }
0x245: {  	[tilespmem:s25+$0xFFFFFF10] =	vst v4;
	v4 =	vld.idx.msk [tilespmem:v9+s3+$0x0], $0xffff  }
0x246: {  	v6 =	vld [tilespmem:s28+$0xFFFFFDA0];
	[tilespmem:s25+$0xFFFFFF90] =	vst v0  }
0x247: {  	v0 =	vld [tilespmem:s28+$0xFFFFFE20];
	[tilespmem:s25+$0x10] =	vst v1  }
0x248: {  	v1 =	vld [tilespmem:s28+$0xFFFFFEA0];
	[tilespmem:s25+$0x220] =	vst v2  }
0x249: {  	[tilespmem:s25+$0x90] =	vst v3;
	v2 =	vld [tilespmem:s28+$0x230]  }
0x24a: {  	v3 =	vld [tilespmem:s28+$0xFFFFFF20];
	[tilespmem:s25+$0x110] =	vst v5  }
0x24b: {  	v5 =	vld [tilespmem:s28+$0xFFFFFFA0];
	[tilespmem:s25+$0x190] =	vst v4  }
0x24c: {  	v4 =	vld [tilespmem:s28+$0x20]  }
0x24d: {  	v7 =	vld [tilespmem:s28+$0xA0]  }
0x24e: {  	v8 =	vld [tilespmem:s28+$0x120]  }
0x24f: {  	v9 =	vld [tilespmem:s28+$0x1A0]  }
0x250: {  	v6 =	vld.idx.msk [tilespmem:v6+s3+$0x0], $0xffff  }
0x251: {  	v2 =	vld.idx.msk [tilespmem:v2+s3+$0x0], $0xffff  }
0x252: {  	v0 =	vld.idx.msk [tilespmem:v0+s3+$0x0], $0xffff  }
0x253: {  	v1 =	vld.idx.msk [tilespmem:v1+s3+$0x0], $0xffff  }
0x254: {  	v3 =	vld.idx.msk [tilespmem:v3+s3+$0x0], $0xffff  }
0x255: {  	v5 =	vld.idx.msk [tilespmem:v5+s3+$0x0], $0xffff  }
0x256: {  	[tilespmem:s25+$0xFFFFFDA0] =	vst v6;
	v4 =	vld.idx.msk [tilespmem:v4+s3+$0x0], $0xffff  }
0x257: {  	v6 =	vld.idx.msk [tilespmem:v7+s3+$0x0], $0xffff;
	[tilespmem:s25+$0x230] =	vst v2  }
0x258: {  	[tilespmem:s25+$0xFFFFFE20] =	vst v0;
	v0 =	vld [tilespmem:s28+$0x240]  }
0x259: {  	[tilespmem:s25+$0xFFFFFEA0] =	vst v1;
	v1 =	vld.idx.msk [tilespmem:v8+s3+$0x0], $0xffff  }
0x25a: {  	[tilespmem:s25+$0xFFFFFF20] =	vst v3;
	v2 =	vld.idx.msk [tilespmem:v9+s3+$0x0], $0xffff  }
0x25b: {  	v3 =	vld [tilespmem:s28+$0xFFFFFDB0];
	[tilespmem:s25+$0xFFFFFFA0] =	vst v5  }
0x25c: {  	v5 =	vld [tilespmem:s28+$0xFFFFFE30];
	[tilespmem:s25+$0x20] =	vst v4  }
0x25d: {  	v4 =	vld [tilespmem:s28+$0xFFFFFEB0];
	[tilespmem:s25+$0xA0] =	vst v6  }
0x25e: {  	v6 =	vld [tilespmem:s28+$0xFFFFFF30]  }
0x25f: {  	v7 =	vld [tilespmem:s28+$0xFFFFFFB0];
	[tilespmem:s25+$0x120] =	vst v1  }
0x260: {  	[tilespmem:s25+$0x1A0] =	vst v2;
	v0 =	vld.idx.msk [tilespmem:v0+s3+$0x0], $0xffff  }
0x261: {  	v1 =	vld [tilespmem:s28+$0x30]  }
0x262: {  	v2 =	vld [tilespmem:s28+$0xB0]  }
0x263: {  	v8 =	vld [tilespmem:s28+$0x130]  }
0x264: {  	v9 =	vld [tilespmem:s28+$0x1B0]  }
0x265: {  	v3 =	vld.idx.msk [tilespmem:v3+s3+$0x0], $0xffff  }
0x266: {  	v5 =	vld.idx.msk [tilespmem:v5+s3+$0x0], $0xffff;
	[tilespmem:s25+$0x240] =	vst v0  }
0x267: {  	v0 =	vld [tilespmem:s28+$0x250]  }
0x268: {  	v4 =	vld.idx.msk [tilespmem:v4+s3+$0x0], $0xffff  }
0x269: {  	v6 =	vld.idx.msk [tilespmem:v6+s3+$0x0], $0xffff  }
0x26a: {  	v7 =	vld.idx.msk [tilespmem:v7+s3+$0x0], $0xffff  }
0x26b: {  	[tilespmem:s25+$0xFFFFFDB0] =	vst v3;
	v1 =	vld.idx.msk [tilespmem:v1+s3+$0x0], $0xffff  }
0x26c: {  	[tilespmem:s25+$0xFFFFFE30] =	vst v5;
	v2 =	vld.idx.msk [tilespmem:v2+s3+$0x0], $0xffff  }
0x26d: {  	v3 =	vld.idx.msk [tilespmem:v8+s3+$0x0], $0xffff  }
0x26e: {  	[tilespmem:s25+$0xFFFFFEB0] =	vst v4;
	v4 =	vld.idx.msk [tilespmem:v9+s3+$0x0], $0xffff  }
0x26f: {  	[tilespmem:s25+$0xFFFFFF30] =	vst v6;
	v0 =	vld.idx.msk [tilespmem:v0+s3+$0x0], $0xffff  }
0x270: {  	v5 =	vld [tilespmem:s28+$0xFFFFFDC0];
	[tilespmem:s25+$0xFFFFFFB0] =	vst v7  }
0x271: {  	v6 =	vld [tilespmem:s28+$0xFFFFFE40];
	[tilespmem:s25+$0x30] =	vst v1  }
0x272: {  	v1 =	vld [tilespmem:s28+$0xFFFFFEC0];
	[tilespmem:s25+$0xB0] =	vst v2  }
0x273: {  	v2 =	vld [tilespmem:s28+$0xFFFFFF40];
	[tilespmem:s25+$0x130] =	vst v3  }
0x274: {  	v3 =	vld [tilespmem:s28+$0xFFFFFFC0];
	[tilespmem:s25+$0x1B0] =	vst v4  }
0x275: {  	v4 =	vld [tilespmem:s28+$0x40];
	[tilespmem:s25+$0x250] =	vst v0  }
0x276: {  	v0 =	vld [tilespmem:s28+$0x260]  }
0x277: {  	v7 =	vld [tilespmem:s28+$0xC0]  }
0x278: {  	v8 =	vld [tilespmem:s28+$0x140]  }
0x279: {  	v9 =	vld [tilespmem:s28+$0x1C0]  }
0x27a: {  	v5 =	vld.idx.msk [tilespmem:v5+s3+$0x0], $0xffff  }
0x27b: {  	v6 =	vld.idx.msk [tilespmem:v6+s3+$0x0], $0xffff  }
0x27c: {  	v1 =	vld.idx.msk [tilespmem:v1+s3+$0x0], $0xffff  }
0x27d: {  	v2 =	vld.idx.msk [tilespmem:v2+s3+$0x0], $0xffff  }
0x27e: {  	v0 =	vld.idx.msk [tilespmem:v0+s3+$0x0], $0xffff  }
0x27f: {  	v3 =	vld.idx.msk [tilespmem:v3+s3+$0x0], $0xffff  }
0x280: {  	[tilespmem:s25+$0xFFFFFDC0] =	vst v5;
	v4 =	vld.idx.msk [tilespmem:v4+s3+$0x0], $0xffff  }
0x281: {  	[tilespmem:s25+$0xFFFFFE40] =	vst v6;
	v5 =	vld.idx.msk [tilespmem:v7+s3+$0x0], $0xffff  }
0x282: {  	[tilespmem:s25+$0xFFFFFEC0] =	vst v1;
	v1 =	vld.idx.msk [tilespmem:v8+s3+$0x0], $0xffff  }
0x283: {  	[tilespmem:s25+$0xFFFFFF40] =	vst v2;
	v2 =	vld.idx.msk [tilespmem:v9+s3+$0x0], $0xffff  }
0x284: {  	v6 =	vld [tilespmem:s28+$0xFFFFFDD0];
	[tilespmem:s25+$0x260] =	vst v0  }
0x285: {  	[tilespmem:s25+$0xFFFFFFC0] =	vst v3;
	v0 =	vld [tilespmem:s28+$0x270]  }
0x286: {  	v3 =	vld [tilespmem:s28+$0xFFFFFE50];
	[tilespmem:s25+$0x40] =	vst v4  }
0x287: {  	v4 =	vld [tilespmem:s28+$0xFFFFFED0];
	[tilespmem:s25+$0xC0] =	vst v5  }
0x288: {  	v5 =	vld [tilespmem:s28+$0xFFFFFF50];
	[tilespmem:s25+$0x140] =	vst v1  }
0x289: {  	v1 =	vld [tilespmem:s28+$0xFFFFFFD0];
	[tilespmem:s25+$0x1C0] =	vst v2  }
0x28a: {  	v2 =	vld [tilespmem:s28+$0x50]  }
0x28b: {  	v7 =	vld [tilespmem:s28+$0xD0]  }
0x28c: {  	v8 =	vld [tilespmem:s28+$0x150]  }
0x28d: {  	v0 =	vld.idx.msk [tilespmem:v0+s3+$0x0], $0xffff  }
0x28e: {  	v9 =	vld [tilespmem:s28+$0x1D0]  }
0x28f: {  	v6 =	vld.idx.msk [tilespmem:v6+s3+$0x0], $0xffff  }
0x290: {  	v3 =	vld.idx.msk [tilespmem:v3+s3+$0x0], $0xffff  }
0x291: {  	v4 =	vld.idx.msk [tilespmem:v4+s3+$0x0], $0xffff  }
0x292: {  	v5 =	vld.idx.msk [tilespmem:v5+s3+$0x0], $0xffff  }
0x293: {  	v1 =	vld.idx.msk [tilespmem:v1+s3+$0x0], $0xffff;
	[tilespmem:s25+$0x270] =	vst v0  }
0x294: {  	v0 =	vld.idx.msk [tilespmem:v2+s3+$0x0], $0xffff  }
0x295: {  	[tilespmem:s25+$0xFFFFFDD0] =	vst v6;
	v2 =	vld.idx.msk [tilespmem:v7+s3+$0x0], $0xffff  }
0x296: {  	[tilespmem:s25+$0xFFFFFE50] =	vst v3;
	v3 =	vld.idx.msk [tilespmem:v8+s3+$0x0], $0xffff  }
0x297: {  	[tilespmem:s25+$0xFFFFFED0] =	vst v4;
	v4 =	vld.idx.msk [tilespmem:v9+s3+$0x0], $0xffff  }
0x298: {  	v6 =	vld [tilespmem:s28+$0xFFFFFDE0];
	[tilespmem:s25+$0xFFFFFF50] =	vst v5  }
0x299: {  	v5 =	vld [tilespmem:s28+$0xFFFFFE60];
	[tilespmem:s25+$0xFFFFFFD0] =	vst v1  }
0x29a: {  	v1 =	vld [tilespmem:s28+$0xFFFFFEE0];
	[tilespmem:s25+$0x50] =	vst v0  }
0x29b: {  	v0 =	vld [tilespmem:s28+$0xFFFFFF60];
	[tilespmem:s25+$0xD0] =	vst v2  }
0x29c: {  	v2 =	vld [tilespmem:s28+$0xFFFFFFE0];
	[tilespmem:s25+$0x150] =	vst v3  }
0x29d: {  	v3 =	vld [tilespmem:s28+$0x60];
	[tilespmem:s25+$0x1D0] =	vst v4  }
0x29e: {  	v4 =	vld [tilespmem:s28+$0xE0]  }
0x29f: {  	v7 =	vld [tilespmem:s28+$0x160]  }
0x2a0: {  	v8 =	vld [tilespmem:s28+$0x1E0]  }
0x2a1: {  	v6 =	vld.idx.msk [tilespmem:v6+s3+$0x0], $0xffff  }
0x2a2: {  	v5 =	vld.idx.msk [tilespmem:v5+s3+$0x0], $0xffff  }
0x2a3: {  	v1 =	vld.idx.msk [tilespmem:v1+s3+$0x0], $0xffff  }
0x2a4: {  	v0 =	vld.idx.msk [tilespmem:v0+s3+$0x0], $0xffff  }
0x2a5: {  	v2 =	vld.idx.msk [tilespmem:v2+s3+$0x0], $0xffff  }
0x2a6: {  	v3 =	vld.idx.msk [tilespmem:v3+s3+$0x0], $0xffff  }
0x2a7: {  	[tilespmem:s25+$0xFFFFFDE0] =	vst v6;
	v4 =	vld.idx.msk [tilespmem:v4+s3+$0x0], $0xffff  }
0x2a8: {  	[tilespmem:s25+$0xFFFFFE60] =	vst v5;
	v5 =	vld.idx.msk [tilespmem:v7+s3+$0x0], $0xffff  }
0x2a9: {  	[tilespmem:s25+$0xFFFFFEE0] =	vst v1;
	v1 =	vld.idx.msk [tilespmem:v8+s3+$0x0], $0xffff  }
0x2aa: {  	v6 =	vld [tilespmem:s28+$0xFFFFFDF0];
	[tilespmem:s25+$0xFFFFFF60] =	vst v0  }
0x2ab: {  	v0 =	vld [tilespmem:s28+$0xFFFFFE70];
	[tilespmem:s25+$0xFFFFFFE0] =	vst v2  }
0x2ac: {  	v2 =	vld [tilespmem:s28+$0xFFFFFEF0];
	[tilespmem:s25+$0x60] =	vst v3  }
0x2ad: {  	v3 =	vld [tilespmem:s28+$0xFFFFFF70];
	[tilespmem:s25+$0xE0] =	vst v4  }
0x2ae: {  	v4 =	vld [tilespmem:s28+$0xFFFFFFF0];
	[tilespmem:s25+$0x160] =	vst v5  }
0x2af: {  	v7 =	vld [tilespmem:s28+$0x70];
	[tilespmem:s25+$0x1E0] =	vst v1  }
0x2b0: {  	v8 =	vld [tilespmem:s28+$0xF0]  }
0x2b1: {  	v9 =	vld [tilespmem:s28+$0x170]  }
0x2b2: {  	v10 =	vld [tilespmem:s28+$0x1F0]  }
0x2b3: {  	v6 =	vld.idx.msk [tilespmem:v6+s3+$0x0], $0xffff  }
0x2b4: {  	v11 =	vld.idx.msk [tilespmem:v0+s3+$0x0], $0xffff  }
0x2b5: {  	v12 =	vld.idx.msk [tilespmem:v2+s3+$0x0], $0xffff  }
0x2b6: {  	v5 =	vld.idx.msk [tilespmem:v3+s3+$0x0], $0xffff  }
.Ltmp3:
0x2b7: {  	v0 =	vld.idx.msk [tilespmem:v4+s3+$0x0], $0xffff;
	(pc) =	sbr.rel @p0 .LBB2_5-.Ltmp3, $4  }
0x2b8: {  	v1 =	vld.idx.msk [tilespmem:v7+s3+$0x0], $0xffff  }
0x2b9: {  	[tilespmem:s25+$0xFFFFFDF0] =	vst v6;
	v2 =	vld.idx.msk [tilespmem:v8+s3+$0x0], $0xffff  }
0x2ba: {  	[tilespmem:s25+$0xFFFFFE70] =	vst v11;
	v3 =	vld.idx.msk [tilespmem:v9+s3+$0x0], $0xffff  }
0x2bb: {  	s28 =	sadd.s32 $0x500, s28;
	[tilespmem:s25+$0xFFFFFEF0] =	vst v12;
	v4 =	vld.idx.msk [tilespmem:v10+s3+$0x0], $0xffff  }
0x2bc: {  	s26 =	smulhi.u32 $0x10624DD3, s23;
	_ =	sdelay $0x1  }
0x2bd: {  	s26 =	sshrl.u32 s26, $0x4  }
0x2be: {  	s26 =	smul.u32 $0xFA, s26;
	_ =	sdelay $0x1  }
0x2bf: {  	s31 =	ssub.s32 s23, s26  }
0x2c0: {  	[tilespmem:s25+$0xFFFFFF70] =	vst v5;
	s23 =	smul.u32 $0xC800, s31  }
0x2c1: {  	[tilespmem:s25+$0xFFFFFFF0] =	vst v0  }
.Ltmp4:
0x2c2: {  	[tilespmem:s25+$0x70] =	vst v1;
	s23 =	sadd.s32 s24, s23;
	(pc) =	sbr.rel @p1 .LBB2_8-.Ltmp4, $4  }
0x2c3: {  	[tilespmem:s25+$0xF0] =	vst v2;
	s23 =	sor.u32 s9, s23  }
0x2c4: {  	[tilespmem:s25+$0x170] =	vst v3;
	s23 =	sshrl.u32 s23, $0x3  }
0x2c5: {  	[tilespmem:s25+$0x1F0] =	vst v4;
	s23 =	sadd.s32 s1, s23  }
0x2c6: {  	[hbm4b:s23+s14] =	stream.strided.scatter [tilespmem:s18], [sflag:$0x4], $0x1900, s15, s14, $0x38;
	[tilespmem:$0x1EAA0] =	vst v63  }
0x2c7: {  	s23 =	smul.u32 $0x3200, s22  }
.Ltmp5:
0x2c8: {  	_ = 	snop;
	(pc) =	sbr.rel .LBB2_2-.Ltmp5, $4  }
0x2c9: {  	s23 =	sshrl.u32 s23, $0x3  }
0x2ca: {  	s23 =	sadd.s32 s4, s23  }
0x2cb: {  	s22 =	sadd.s32 $0x1, s22;
	s23 =	sadd.s32 $0x960, s23  }
0x2cc: {  	[tilespmem:s12], [sflag:$0x2] =	stream.linear.gather [hbm4b:s23+s3], $0x1900, $0x38;
	[tilespmem:$0x1EAA0] =	vst v63  }
.LBB2_9:
0x2cd: {  	_ =	sfence.sel $0x180000  }
0x2ce: {  	[bflag:$0x0] =	sbarrier.arrive $0xFFFF  }
0x2cf: {  	p0 =	sne.s32 s2, $0x0;
	_ =	strace $0x90000047  }
0x2d0: {  	s0 =	sadd.s32 @!p0 $0x100000, s0;
	[bflag:$0x2] =	sbarrier.arrive $0xFFFF  }
0x2d1: {  	[sflag:s0] =	ssyncadd.tile.s32 @!p0 $0x1;
	_ =	shalt  }
.Lfunc_end2:
_tile_overlayer_lowered:
.L_overlay_start_2:
0x2d2: {  	(tag) =	ssettag $0x2  }
0x2d3: {  	s0 =	rddreg [dreg:$0x0];
	s2 =	stileid.u32  }
0x2d4: {  	s1 =	rddreg [dreg:$0x1];
	p0 =	sne.s32 s2, $0x0  }
0x2d5: {  	s3 =	rddreg [dreg:$0x2];
	[bflag:$0x3] =	sbarrier.arrive $0xFFFF;
	s2 =	simm.s32 @!p0 $0x1C05  }
0x2d6: {  	[timem:s3], [sflag:s2] =	dma.local @!p0 [hbm:s0], s1  }
0x2d7: {  	s0 =	simm.s32 @!p0 $0x5  }
0x2d8: {  	_ =	swait.ge @!p0 [sflag:s0], s1  }
0x2d9: {  	s1 =	ssub.s32 @!p0 $0x0, s1;
	[sflag:s0] =	ssyncset.done @!p0 $0x0  }
0x2da: {  	[sflag:s0] =	ssyncadd.s32 @!p0 s1  }
0x2db: {  	[bflag:$0x3] =	sbarrier.arrive $0xFFFF  }
0x2dc: {  	_ =	shalt  }

</sc_bundles>
